<compile_context>
chip_gen: v7x
topology: tpu7x:2x2x1
jax: 0.10.2.dev20260603
libtpu: 0.0.44.dev20260713+nightly
codegen_flags: <defaults>
</compile_context>

<pallas_src>
import functools

import jax
import jax.numpy as jnp
from jax import lax
from jax.experimental import pallas as pl
from jax.experimental.pallas import tpu as pltpu
from jax.experimental.pallas import tpu_sc as plsc

N = 10000
E = 320000
F = 128
H = 32
G = 64

NC = 2
NS = 16
NW = NC * NS
L = 16

NPAD = 10240
RPW = NPAD // NS
CH = 128
NCHUNK = -(-E // (NW * CH))
EPW = NCHUNK * CH
EP = EPW * NW
NR = NPAD // L
HRT = NR // NS

_MESH = plsc.VectorSubcoreMesh(core_axis_name="c", subcore_axis_name="s")
_SC_PARAMS = pltpu.CompilerParams(needs_layout_passes=False,
                                  use_tc_tiling_on_sc=False)


@functools.partial(
    pl.kernel,
    out_type=jax.ShapeDtypeStruct((NC, NR, L), jnp.float32),
    mesh=_MESH,
    scratch_types=[
        pltpu.VMEM((EPW,), jnp.int32),
        pltpu.VMEM((NR, L), jnp.float32),
        pltpu.VMEM((NR,), jnp.int32),
        pltpu.VMEM_SHARED((NR, L), jnp.float32),
    ],
    compiler_params=_SC_PARAMS,
)
def _deg_kernel(dst_hbm, out_hbm, idx_v, hist_v, iota_v, shared):
    c = lax.axis_index("c")
    s = lax.axis_index("s")
    wid = s * NC + c
    zeros16 = jnp.zeros((L,), jnp.float32)
    ones16 = jnp.ones((L,), jnp.float32)
    iota16 = lax.iota(jnp.int32, L)

    def zero_body(i, carry):
        hist_v[i] = zeros16
        return carry

    lax.fori_loop(0, NR, zero_body, 0)

    def iota_body(i, carry):
        iota_v[pl.ds(i * L, L)] = iota16 + i * L
        return carry

    lax.fori_loop(0, NR // L, iota_body, 0)
    pltpu.sync_copy(hist_v.at[pl.ds(s * HRT, HRT)],
                    shared.at[pl.ds(s * HRT, HRT)])
    pltpu.sync_copy(dst_hbm.at[pl.ds(wid * EPW, EPW)], idx_v)
    plsc.subcore_barrier()

    def hist_body(i, carry):
        for jj in range(8):
            idx = idx_v[pl.ds((i * 8 + jj) * L, L)]
            plsc.addupdate_scatter(hist_v, [idx >> 4, idx & 15], ones16)
        return carry

    lax.fori_loop(0, EPW // (8 * L), hist_body, 0)
    pltpu.sync_copy(hist_v, shared.at[iota_v], add=True)
    plsc.subcore_barrier()
    pltpu.sync_copy(shared.at[pl.ds(s * HRT, HRT)],
                    out_hbm.at[c, pl.ds(s * HRT, HRT)])


@functools.partial(
    pl.kernel,
    out_type=jax.ShapeDtypeStruct((NC, NPAD, H), jnp.float32),
    mesh=_MESH,
    scratch_types=[
        pltpu.VMEM((NCHUNK, CH), jnp.int32),
        pltpu.VMEM((NCHUNK, CH), jnp.int32),
        pltpu.VMEM((4, CH, H), jnp.float32),
        pltpu.VMEM((RPW, H), jnp.float32),
        pltpu.VMEM_SHARED((NPAD, H), jnp.float32),
        pltpu.SemaphoreType.DMA,
        pltpu.SemaphoreType.DMA,
    ],
    compiler_params=_SC_PARAMS,
)
def _agg_kernel(p_hbm, src_hbm, dst_hbm, out_hbm,
                src_v, dst_v, rows_v, zb_v, shared, sem, ssem):
    c = lax.axis_index("c")
    s = lax.axis_index("s")
    wid = s * NC + c
    zeros16 = jnp.zeros((L,), jnp.float32)

    def zero_body(i, carry):
        for k in range(H // L):
            zb_v[i, pl.ds(k * L, L)] = zeros16
        return carry

    lax.fori_loop(0, RPW, zero_body, 0)
    pltpu.sync_copy(zb_v, shared.at[pl.ds(s * RPW, RPW)])
    pltpu.sync_copy(src_hbm.at[wid], src_v)
    pltpu.sync_copy(dst_hbm.at[wid], dst_v)
    plsc.subcore_barrier()

    pltpu.async_copy(p_hbm.at[src_v.at[0]], rows_v.at[0], sem)
    pltpu.async_copy(p_hbm.at[src_v.at[1]], rows_v.at[1], sem)

    def chunk_body(k, carry):
        pltpu.make_async_copy(p_hbm.at[src_v.at[k]], rows_v.at[k & 3],
                              sem).wait()
        pltpu.async_copy(rows_v.at[k & 3], shared.at[dst_v.at[k]], ssem,
                         add=True)

        @pl.when(k >= 2)
        def _():
            pltpu.make_async_copy(rows_v.at[(k - 2) & 3],
                                  shared.at[dst_v.at[k]], ssem).wait()

        nxt = k + 2

        @pl.when(nxt < NCHUNK)
        def _():
            pltpu.async_copy(p_hbm.at[src_v.at[nxt]], rows_v.at[nxt & 3],
                             sem)
        return carry

    lax.fori_loop(0, NCHUNK, chunk_body, 0)
    pltpu.make_async_copy(rows_v.at[0], shared.at[dst_v.at[0]], ssem).wait()
    pltpu.make_async_copy(rows_v.at[1], shared.at[dst_v.at[1]], ssem).wait()
    plsc.subcore_barrier()
    pltpu.sync_copy(shared.at[pl.ds(s * RPW, RPW)],
                    out_hbm.at[c, pl.ds(s * RPW, RPW)])


def _tc1_body(x_ref, w1_ref, degp_ref, p1_ref, dinv_ref):
    deg = degp_ref[:, 0:1] + degp_ref[:, 1:2] + 1.0
    dinv = lax.rsqrt(deg)
    dinv_ref[...] = dinv
    u = jnp.dot(x_ref[...], w1_ref[...], preferred_element_type=jnp.float32)
    p1_ref[...] = u * dinv


_tc1 = pl.pallas_call(
    _tc1_body,
    out_shape=(jax.ShapeDtypeStruct((NPAD, H), jnp.float32),
               jax.ShapeDtypeStruct((NPAD, 1), jnp.float32)),
)


def _tc2_body(aggp_ref, p1_ref, dinv_ref, b1_ref, w2_ref, p2_ref):
    agg = aggp_ref[0] + aggp_ref[1] + p1_ref[...]
    h1 = jnp.maximum(dinv_ref[...] * agg + b1_ref[...], 0.0)
    p2_ref[...] = jnp.dot(h1, w2_ref[...],
                          preferred_element_type=jnp.float32) * dinv_ref[...]


_tc2 = pl.pallas_call(
    _tc2_body,
    out_shape=jax.ShapeDtypeStruct((NPAD, H), jnp.float32),
)


def _tc3_body(aggp_ref, p2_ref, dinv_ref, b2_ref, batch_ref, w3_ref, b3_ref,
              out_ref):
    agg = aggp_ref[0] + aggp_ref[1] + p2_ref[...]
    h2 = jnp.maximum(dinv_ref[...] * agg + b2_ref[...], 0.0)
    gids = lax.broadcasted_iota(jnp.int32, (G, NPAD), 0)
    onehot = (batch_ref[...] == gids).astype(jnp.float32)
    sums = jnp.dot(onehot, h2, preferred_element_type=jnp.float32)
    counts = jnp.sum(onehot, axis=1, keepdims=True)
    pooled = sums / jnp.maximum(counts, 1.0)
    out_ref[...] = jnp.dot(pooled, w3_ref[...],
                           preferred_element_type=jnp.float32) + b3_ref[...]


_tc3 = pl.pallas_call(
    _tc3_body,
    out_shape=jax.ShapeDtypeStruct((G, 1), jnp.float32),
)


def kernel(x, edge_index, batch, W1, b1, W2, b2, W3, b3):
    src = jnp.pad(edge_index[0].astype(jnp.int32), (0, EP - E),
                  constant_values=N)
    dst = jnp.pad(edge_index[1].astype(jnp.int32), (0, EP - E),
                  constant_values=N)
    src3 = src.reshape(NW, NCHUNK, CH)
    dst3 = dst.reshape(NW, NCHUNK, CH)
    x_pad = jnp.pad(x, ((0, NPAD - N), (0, 0)))
    batch_pad = jnp.pad(batch.astype(jnp.int32), (0, NPAD - N),
                        constant_values=G).reshape(1, NPAD)

    degp = _deg_kernel(dst).reshape(NC, NPAD)
    degt = degp.T
    p1, dinv = _tc1(x_pad, W1, degt)
    agg1 = _agg_kernel(p1, src3, dst3)
    p2 = _tc2(agg1, p1, dinv, b1.reshape(1, H), W2)
    agg2 = _agg_kernel(p2, src3, dst3)
    out = _tc3(agg2, p2, dinv, b2.reshape(1, H), batch_pad, W3,
               b3.reshape(1, 1))
    return out.reshape(-1)

# --- scband reference (transcript-rebuilt; emitter-appended) ---
"""Pipeline reference for scband-simple-gcn-4389456577426 (READ-ONLY COPY).

The authoritative reference and input builder live on the scoring server;
editing this copy changes nothing except your own understanding.
"""

import jax, jax.numpy as jnp
import numpy as np

N = 10000
E = 320000
F = 128
H = 32
G = 64


def setup_inputs(seed: int = 0) -> dict:
    key = jax.random.key(seed)
    ks = jax.random.split(key, 8)
    x = jax.random.normal(ks[0], (N, F), dtype=jnp.float32)
    edge_index = jax.random.randint(ks[1], (2, E), 0, N, dtype=jnp.int64)
    batch = jnp.sort(jax.random.randint(ks[2], (N,), 0, G, dtype=jnp.int64))
    W1 = jax.random.normal(ks[3], (F, H), dtype=jnp.float32) * (1.0 / np.sqrt(F))
    b1 = jnp.zeros((H,), dtype=jnp.float32)
    W2 = jax.random.normal(ks[4], (H, H), dtype=jnp.float32) * (1.0 / np.sqrt(H))
    b2 = jnp.zeros((H,), dtype=jnp.float32)
    W3 = jax.random.normal(ks[5], (H, 1), dtype=jnp.float32) * (1.0 / np.sqrt(H))
    b3 = jnp.zeros((1,), dtype=jnp.float32)
    return {"x": x, "edge_index": edge_index, "batch": batch,
            "W1": W1, "b1": b1, "W2": W2, "b2": b2, "W3": W3, "b3": b3}


def _gcn_conv(x, edge_index, W, b):
    # GCNConv: x' = D^{-1/2} (A + I) D^{-1/2} (x W) + b
    n = x.shape[0]
    loop = jnp.arange(n, dtype=edge_index.dtype)
    src = jnp.concatenate([edge_index[0], loop])
    dst = jnp.concatenate([edge_index[1], loop])
    deg = jnp.zeros((n,), dtype=x.dtype).at[dst].add(1.0)
    deg_inv_sqrt = jnp.where(deg > 0, jax.lax.rsqrt(jnp.maximum(deg, 1e-12)), 0.0)
    norm = deg_inv_sqrt[src] * deg_inv_sqrt[dst]
    h = x @ W
    msgs = h[src] * norm[:, None]
    out = jnp.zeros((n, W.shape[1]), dtype=x.dtype).at[dst].add(msgs)
    return out + b


def reference(x, edge_index, batch, W1, b1, W2, b2, W3, b3):
    h = jax.nn.relu(_gcn_conv(x, edge_index, W1, b1))
    h = jax.nn.relu(_gcn_conv(h, edge_index, W2, b2))
    # global_mean_pool
    sums = jax.ops.segment_sum(h, batch, num_segments=G)
    counts = jax.ops.segment_sum(jnp.ones((h.shape[0], 1), dtype=h.dtype), batch, num_segments=G)
    pooled = sums / jnp.maximum(counts, 1.0)
    out = (pooled @ W3 + b3).reshape(-1)
    return out

if __name__ == "__main__":
    import jax
    _d = setup_inputs()
    print(jax.jit(kernel)(*tuple(_d.values())))

</pallas_src>

<mosaic_0001>
#map = affine_map<(d0, d1) -> (0)>
#map1 = affine_map<(d0, d1) -> (0, 0, 0)>
module attributes {stable_mosaic.version = 14 : i64} {
  func.func @_deg_kernel(%arg0: i32, %arg1: i32, %arg2: memref<323584xi32, #tpu.memory_space<hbm>>, %arg3: memref<2x640x16xf32, #tpu.memory_space<hbm>>, %arg4: memref<10112xi32, #tpu.memory_space<vmem>>, %arg5: memref<640x16xf32, #tpu.memory_space<vmem>>, %arg6: memref<640xi32, #tpu.memory_space<vmem>>, %arg7: memref<640x16xf32, #tpu.memory_space<vmem_shared>>) attributes {dimension_semantics = [#tpu.dimension_semantics<core_parallel>, #tpu.dimension_semantics<subcore_parallel>], iteration_bounds = array<i64: 2, 16>, scalar_prefetch = 0 : i64, scratch_operands = 4 : i64, tpu.core_type = #tpu.core_type<sc_vector_subcore>, window_params = [{transform_indices = #map}, {transform_indices = #map1}]} {
    %mul3A = arith.constant 2 : i32
    %mul3A_0 = arith.muli %arg1, %mul3A : i32
    %add3A = arith.addi %mul3A_0, %arg0 : i32
    %broadcast_in_dim3A = arith.constant 0.000000e+00 : f32
    %broadcast_in_dim3A_1 = vector.broadcast %broadcast_in_dim3A : f32 to vector<16xf32>
    %broadcast_in_dim3A_2 = arith.constant 1.000000e+00 : f32
    %broadcast_in_dim3A_3 = vector.broadcast %broadcast_in_dim3A_2 : f32 to vector<16xf32>
    %iota3A = tpu.iota {dimensions = array<i32: 0>} : vector<16xi32>
    %scan3A = arith.constant 0 : i32
    %scan3A_4 = arith.constant 0 : i32
    %scan3A_5 = arith.constant 640 : i32
    %scan3A_6 = arith.addi %scan3A_4, %scan3A_5 : i32
    %scan3A_7 = arith.constant 1 : i32
    scf.for %scan3A_32 = %scan3A_4 to %scan3A_6 step %scan3A_7  : i32 {
      %swap3A = arith.index_cast %scan3A_32 : i32 to index
      %swap3A_33 = arith.constant 0 : index
      %swap3A_34 = tpu.vector_load %arg5[%swap3A, %swap3A_33] {strides = array<i32>} : memref<640x16xf32, #tpu.memory_space<vmem>>, vector<16xf32>,
      tpu.vector_store %arg5[%swap3A, %swap3A_33], %broadcast_in_dim3A_1 {strides = array<i32>} : memref<640x16xf32, #tpu.memory_space<vmem>>, vector<16xf32>,
    }
    %scan3A_8 = arith.constant 640 : i32
    %scan3A_9 = arith.constant 0 : i32
    %scan3A_10 = arith.constant 0 : i32
    %scan3A_11 = arith.constant 40 : i32
    %scan3A_12 = arith.addi %scan3A_10, %scan3A_11 : i32
    %scan3A_13 = arith.constant 1 : i32
    scf.for %scan3A_32 = %scan3A_10 to %scan3A_12 step %scan3A_13  : i32 {
      %mul3A_33 = arith.constant 16 : i32
      %mul3A_34 = arith.muli %scan3A_32, %mul3A_33 : i32
      %add3A_35 = vector.broadcast %mul3A_34 : i32 to vector<16xi32>
      %add3A_36 = arith.addi %iota3A, %add3A_35 : vector<16xi32>
      %mul3A_37 = arith.constant 16 : i32
      %mul3A_38 = arith.muli %scan3A_32, %mul3A_37 : i32
      %swap3A = arith.index_cast %mul3A_38 : i32 to index
      %swap3A_39 = tpu.vector_load %arg6[%swap3A] {strides = array<i32>} : memref<640xi32, #tpu.memory_space<vmem>>, vector<16xi32>,
      tpu.vector_store %arg6[%swap3A], %add3A_36 {strides = array<i32>} : memref<640xi32, #tpu.memory_space<vmem>>, vector<16xi32>,
    }
    %scan3A_14 = arith.constant 40 : i32
    %mul3A_15 = arith.constant 40 : i32
    %mul3A_16 = arith.muli %arg1, %mul3A_15 : i32
    %mul3A_17 = arith.constant 40 : i32
    %mul3A_18 = arith.muli %arg1, %mul3A_17 : i32
    "tpu.region"() ({
      %run_scoped3A = tpu.sem_alloc : memref<!tpu.dma_semaphore, #tpu.memory_space<semaphore_mem>>
      %dma_start3A = arith.constant 0 : i32
      %dma_start3A_32 = tpu.memref_slice %arg5[%mul3A_16, %dma_start3A] : memref<640x16xf32, #tpu.memory_space<vmem>> -> memref<40x16xf32, #tpu.memory_space<vmem>>
      %dma_start3A_33 = arith.constant 0 : i32
      %dma_start3A_34 = tpu.memref_slice %arg7[%mul3A_18, %dma_start3A_33] : memref<640x16xf32, #tpu.memory_space<vmem_shared>> -> memref<40x16xf32, #tpu.memory_space<vmem_shared>>
      %dma_start3A_35 = arith.constant 0 : i32
      %dma_start3A_36 = tpu.memref_slice %arg7[%mul3A_18, %dma_start3A_35] : memref<640x16xf32, #tpu.memory_space<vmem_shared>> -> memref<40x16xf32, #tpu.memory_space<vmem_shared>>
      %dma_start3A_37 = arith.constant 0 : i32
      %dma_start3A_38 = tpu.memref_slice %arg5[%mul3A_16, %dma_start3A_37] : memref<640x16xf32, #tpu.memory_space<vmem>> -> memref<40x16xf32, #tpu.memory_space<vmem>>
      tpu.enqueue_dma source(%dma_start3A_38 : memref<40x16xf32, #tpu.memory_space<vmem>>) target(%dma_start3A_36 : memref<40x16xf32, #tpu.memory_space<vmem_shared>>) target_semaphore(%run_scoped3A : memref<!tpu.dma_semaphore, #tpu.memory_space<semaphore_mem>>)
      %dma_wait3A = arith.constant 0 : i32
      %dma_wait3A_39 = tpu.memref_slice %arg5[%mul3A_16, %dma_wait3A] : memref<640x16xf32, #tpu.memory_space<vmem>> -> memref<40x16xf32, #tpu.memory_space<vmem>>
      %dma_wait3A_40 = arith.constant 0 : i32
      %dma_wait3A_41 = tpu.memref_slice %arg7[%mul3A_18, %dma_wait3A_40] : memref<640x16xf32, #tpu.memory_space<vmem_shared>> -> memref<40x16xf32, #tpu.memory_space<vmem_shared>>
      %dma_wait3A_42 = arith.constant 0 : i32
      %dma_wait3A_43 = tpu.memref_slice %arg7[%mul3A_18, %dma_wait3A_42] : memref<640x16xf32, #tpu.memory_space<vmem_shared>> -> memref<40x16xf32, #tpu.memory_space<vmem_shared>>
      %dma_wait3A_44 = arith.constant 0 : i32
      %dma_wait3A_45 = tpu.memref_slice %arg5[%mul3A_16, %dma_wait3A_44] : memref<640x16xf32, #tpu.memory_space<vmem>> -> memref<40x16xf32, #tpu.memory_space<vmem>>
      tpu.wait_dma2 semaphore(%run_scoped3A : memref<!tpu.dma_semaphore, #tpu.memory_space<semaphore_mem>>) src(%dma_wait3A_45 : memref<40x16xf32, #tpu.memory_space<vmem>>) dst(%dma_wait3A_43 : memref<40x16xf32, #tpu.memory_space<vmem_shared>>)
      tpu.yield
    }) : () -> ()
    %mul3A_19 = arith.constant 10112 : i32
    %mul3A_20 = arith.muli %add3A, %mul3A_19 : i32
    "tpu.region"() ({
      %run_scoped3A = tpu.sem_alloc : memref<!tpu.dma_semaphore, #tpu.memory_space<semaphore_mem>>
      %dma_start3A = tpu.memref_slice %arg2[%mul3A_20] : memref<323584xi32, #tpu.memory_space<hbm>> -> memref<10112xi32, #tpu.memory_space<hbm>>
      %dma_start3A_32 = tpu.memref_slice %arg2[%mul3A_20] : memref<323584xi32, #tpu.memory_space<hbm>> -> memref<10112xi32, #tpu.memory_space<hbm>>
      tpu.enqueue_dma source(%dma_start3A_32 : memref<10112xi32, #tpu.memory_space<hbm>>) target(%arg4 : memref<10112xi32, #tpu.memory_space<vmem>>) target_semaphore(%run_scoped3A : memref<!tpu.dma_semaphore, #tpu.memory_space<semaphore_mem>>)
      %dma_wait3A = tpu.memref_slice %arg2[%mul3A_20] : memref<323584xi32, #tpu.memory_space<hbm>> -> memref<10112xi32, #tpu.memory_space<hbm>>
      %dma_wait3A_33 = tpu.memref_slice %arg2[%mul3A_20] : memref<323584xi32, #tpu.memory_space<hbm>> -> memref<10112xi32, #tpu.memory_space<hbm>>
      tpu.wait_dma2 semaphore(%run_scoped3A : memref<!tpu.dma_semaphore, #tpu.memory_space<semaphore_mem>>) src(%dma_wait3A_33 : memref<10112xi32, #tpu.memory_space<hbm>>) dst(%arg4 : memref<10112xi32, #tpu.memory_space<vmem>>)
      tpu.yield
    }) : () -> ()
    %barrier3A = arith.constant 0 : index
    tpu.barrier barrier_id(%barrier3A)
    %scan3A_21 = arith.constant 0 : i32
    %scan3A_22 = arith.constant 0 : i32
    %scan3A_23 = arith.constant 79 : i32
    %scan3A_24 = arith.addi %scan3A_22, %scan3A_23 : i32
    %scan3A_25 = arith.constant 1 : i32
    scf.for %scan3A_32 = %scan3A_22 to %scan3A_24 step %scan3A_25  : i32 {
      %mul3A_33 = arith.constant 8 : i32
      %mul3A_34 = arith.muli %scan3A_32, %mul3A_33 : i32
      %add3A_35 = arith.constant 0 : i32
      %add3A_36 = arith.addi %mul3A_34, %add3A_35 : i32
      %mul3A_37 = arith.constant 16 : i32
      %mul3A_38 = arith.muli %add3A_36, %mul3A_37 : i32
      %get3A = arith.index_cast %mul3A_38 : i32 to index
      %get3A_39 = tpu.vector_load %arg4[%get3A] {strides = array<i32>} : memref<10112xi32, #tpu.memory_space<vmem>>, vector<16xi32>,
      %shift_right_arithmetic3A = arith.constant 4 : i32
      %shift_right_arithmetic3A_40 = vector.broadcast %shift_right_arithmetic3A : i32 to vector<16xi32>
      %shift_right_arithmetic3A_41 = arith.shrsi %get3A_39, %shift_right_arithmetic3A_40 : vector<16xi32>
      %and3A = arith.constant 15 : i32
      %and3A_42 = vector.broadcast %and3A : i32 to vector<16xi32>
      %and3A_43 = arith.andi %get3A_39, %and3A_42 : vector<16xi32>
      tpu.vector_store_idx %arg5[%shift_right_arithmetic3A_41, %and3A_43], %broadcast_in_dim3A_3 {add = true} : memref<640x16xf32, #tpu.memory_space<vmem>>[vector<16xi32>, vector<16xi32>], vector<16xf32>,
      %mul3A_44 = arith.constant 8 : i32
      %mul3A_45 = arith.muli %scan3A_32, %mul3A_44 : i32
      %add3A_46 = arith.constant 1 : i32
      %add3A_47 = arith.addi %mul3A_45, %add3A_46 : i32
      %mul3A_48 = arith.constant 16 : i32
      %mul3A_49 = arith.muli %add3A_47, %mul3A_48 : i32
      %get3A_50 = arith.index_cast %mul3A_49 : i32 to index
      %get3A_51 = tpu.vector_load %arg4[%get3A_50] {strides = array<i32>} : memref<10112xi32, #tpu.memory_space<vmem>>, vector<16xi32>,
      %shift_right_arithmetic3A_52 = arith.constant 4 : i32
      %shift_right_arithmetic3A_53 = vector.broadcast %shift_right_arithmetic3A_52 : i32 to vector<16xi32>
      %shift_right_arithmetic3A_54 = arith.shrsi %get3A_51, %shift_right_arithmetic3A_53 : vector<16xi32>
      %and3A_55 = arith.constant 15 : i32
      %and3A_56 = vector.broadcast %and3A_55 : i32 to vector<16xi32>
      %and3A_57 = arith.andi %get3A_51, %and3A_56 : vector<16xi32>
      tpu.vector_store_idx %arg5[%shift_right_arithmetic3A_54, %and3A_57], %broadcast_in_dim3A_3 {add = true} : memref<640x16xf32, #tpu.memory_space<vmem>>[vector<16xi32>, vector<16xi32>], vector<16xf32>,
      %mul3A_58 = arith.constant 8 : i32
      %mul3A_59 = arith.muli %scan3A_32, %mul3A_58 : i32
      %add3A_60 = arith.constant 2 : i32
      %add3A_61 = arith.addi %mul3A_59, %add3A_60 : i32
      %mul3A_62 = arith.constant 16 : i32
      %mul3A_63 = arith.muli %add3A_61, %mul3A_62 : i32
      %get3A_64 = arith.index_cast %mul3A_63 : i32 to index
      %get3A_65 = tpu.vector_load %arg4[%get3A_64] {strides = array<i32>} : memref<10112xi32, #tpu.memory_space<vmem>>, vector<16xi32>,
      %shift_right_arithmetic3A_66 = arith.constant 4 : i32
      %shift_right_arithmetic3A_67 = vector.broadcast %shift_right_arithmetic3A_66 : i32 to vector<16xi32>
      %shift_right_arithmetic3A_68 = arith.shrsi %get3A_65, %shift_right_arithmetic3A_67 : vector<16xi32>
      %and3A_69 = arith.constant 15 : i32
      %and3A_70 = vector.broadcast %and3A_69 : i32 to vector<16xi32>
      %and3A_71 = arith.andi %get3A_65, %and3A_70 : vector<16xi32>
      tpu.vector_store_idx %arg5[%shift_right_arithmetic3A_68, %and3A_71], %broadcast_in_dim3A_3 {add = true} : memref<640x16xf32, #tpu.memory_space<vmem>>[vector<16xi32>, vector<16xi32>], vector<16xf32>,
      %mul3A_72 = arith.constant 8 : i32
      %mul3A_73 = arith.muli %scan3A_32, %mul3A_72 : i32
      %add3A_74 = arith.constant 3 : i32
      %add3A_75 = arith.addi %mul3A_73, %add3A_74 : i32
      %mul3A_76 = arith.constant 16 : i32
      %mul3A_77 = arith.muli %add3A_75, %mul3A_76 : i32
      %get3A_78 = arith.index_cast %mul3A_77 : i32 to index
      %get3A_79 = tpu.vector_load %arg4[%get3A_78] {strides = array<i32>} : memref<10112xi32, #tpu.memory_space<vmem>>, vector<16xi32>,
      %shift_right_arithmetic3A_80 = arith.constant 4 : i32
      %shift_right_arithmetic3A_81 = vector.broadcast %shift_right_arithmetic3A_80 : i32 to vector<16xi32>
      %shift_right_arithmetic3A_82 = arith.shrsi %get3A_79, %shift_right_arithmetic3A_81 : vector<16xi32>
      %and3A_83 = arith.constant 15 : i32
      %and3A_84 = vector.broadcast %and3A_83 : i32 to vector<16xi32>
      %and3A_85 = arith.andi %get3A_79, %and3A_84 : vector<16xi32>
      tpu.vector_store_idx %arg5[%shift_right_arithmetic3A_82, %and3A_85], %broadcast_in_dim3A_3 {add = true} : memref<640x16xf32, #tpu.memory_space<vmem>>[vector<16xi32>, vector<16xi32>], vector<16xf32>,
      %mul3A_86 = arith.constant 8 : i32
      %mul3A_87 = arith.muli %scan3A_32, %mul3A_86 : i32
      %add3A_88 = arith.constant 4 : i32
      %add3A_89 = arith.addi %mul3A_87, %add3A_88 : i32
      %mul3A_90 = arith.constant 16 : i32
      %mul3A_91 = arith.muli %add3A_89, %mul3A_90 : i32
      %get3A_92 = arith.index_cast %mul3A_91 : i32 to index
      %get3A_93 = tpu.vector_load %arg4[%get3A_92] {strides = array<i32>} : memref<10112xi32, #tpu.memory_space<vmem>>, vector<16xi32>,
      %shift_right_arithmetic3A_94 = arith.constant 4 : i32
      %shift_right_arithmetic3A_95 = vector.broadcast %shift_right_arithmetic3A_94 : i32 to vector<16xi32>
      %shift_right_arithmetic3A_96 = arith.shrsi %get3A_93, %shift_right_arithmetic3A_95 : vector<16xi32>
      %and3A_97 = arith.constant 15 : i32
      %and3A_98 = vector.broadcast %and3A_97 : i32 to vector<16xi32>
      %and3A_99 = arith.andi %get3A_93, %and3A_98 : vector<16xi32>
      tpu.vector_store_idx %arg5[%shift_right_arithmetic3A_96, %and3A_99], %broadcast_in_dim3A_3 {add = true} : memref<640x16xf32, #tpu.memory_space<vmem>>[vector<16xi32>, vector<16xi32>], vector<16xf32>,
      %mul3A_100 = arith.constant 8 : i32
      %mul3A_101 = arith.muli %scan3A_32, %mul3A_100 : i32
      %add3A_102 = arith.constant 5 : i32
      %add3A_103 = arith.addi %mul3A_101, %add3A_102 : i32
      %mul3A_104 = arith.constant 16 : i32
      %mul3A_105 = arith.muli %add3A_103, %mul3A_104 : i32
      %get3A_106 = arith.index_cast %mul3A_105 : i32 to index
      %get3A_107 = tpu.vector_load %arg4[%get3A_106] {strides = array<i32>} : memref<10112xi32, #tpu.memory_space<vmem>>, vector<16xi32>,
      %shift_right_arithmetic3A_108 = arith.constant 4 : i32
      %shift_right_arithmetic3A_109 = vector.broadcast %shift_right_arithmetic3A_108 : i32 to vector<16xi32>
      %shift_right_arithmetic3A_110 = arith.shrsi %get3A_107, %shift_right_arithmetic3A_109 : vector<16xi32>
      %and3A_111 = arith.constant 15 : i32
      %and3A_112 = vector.broadcast %and3A_111 : i32 to vector<16xi32>
      %and3A_113 = arith.andi %get3A_107, %and3A_112 : vector<16xi32>
      tpu.vector_store_idx %arg5[%shift_right_arithmetic3A_110, %and3A_113], %broadcast_in_dim3A_3 {add = true} : memref<640x16xf32, #tpu.memory_space<vmem>>[vector<16xi32>, vector<16xi32>], vector<16xf32>,
      %mul3A_114 = arith.constant 8 : i32
      %mul3A_115 = arith.muli %scan3A_32, %mul3A_114 : i32
      %add3A_116 = arith.constant 6 : i32
      %add3A_117 = arith.addi %mul3A_115, %add3A_116 : i32
      %mul3A_118 = arith.constant 16 : i32
      %mul3A_119 = arith.muli %add3A_117, %mul3A_118 : i32
      %get3A_120 = arith.index_cast %mul3A_119 : i32 to index
      %get3A_121 = tpu.vector_load %arg4[%get3A_120] {strides = array<i32>} : memref<10112xi32, #tpu.memory_space<vmem>>, vector<16xi32>,
      %shift_right_arithmetic3A_122 = arith.constant 4 : i32
      %shift_right_arithmetic3A_123 = vector.broadcast %shift_right_arithmetic3A_122 : i32 to vector<16xi32>
      %shift_right_arithmetic3A_124 = arith.shrsi %get3A_121, %shift_right_arithmetic3A_123 : vector<16xi32>
      %and3A_125 = arith.constant 15 : i32
      %and3A_126 = vector.broadcast %and3A_125 : i32 to vector<16xi32>
      %and3A_127 = arith.andi %get3A_121, %and3A_126 : vector<16xi32>
      tpu.vector_store_idx %arg5[%shift_right_arithmetic3A_124, %and3A_127], %broadcast_in_dim3A_3 {add = true} : memref<640x16xf32, #tpu.memory_space<vmem>>[vector<16xi32>, vector<16xi32>], vector<16xf32>,
      %mul3A_128 = arith.constant 8 : i32
      %mul3A_129 = arith.muli %scan3A_32, %mul3A_128 : i32
      %add3A_130 = arith.constant 7 : i32
      %add3A_131 = arith.addi %mul3A_129, %add3A_130 : i32
      %mul3A_132 = arith.constant 16 : i32
      %mul3A_133 = arith.muli %add3A_131, %mul3A_132 : i32
      %get3A_134 = arith.index_cast %mul3A_133 : i32 to index
      %get3A_135 = tpu.vector_load %arg4[%get3A_134] {strides = array<i32>} : memref<10112xi32, #tpu.memory_space<vmem>>, vector<16xi32>,
      %shift_right_arithmetic3A_136 = arith.constant 4 : i32
      %shift_right_arithmetic3A_137 = vector.broadcast %shift_right_arithmetic3A_136 : i32 to vector<16xi32>
      %shift_right_arithmetic3A_138 = arith.shrsi %get3A_135, %shift_right_arithmetic3A_137 : vector<16xi32>
      %and3A_139 = arith.constant 15 : i32
      %and3A_140 = vector.broadcast %and3A_139 : i32 to vector<16xi32>
      %and3A_141 = arith.andi %get3A_135, %and3A_140 : vector<16xi32>
      tpu.vector_store_idx %arg5[%shift_right_arithmetic3A_138, %and3A_141], %broadcast_in_dim3A_3 {add = true} : memref<640x16xf32, #tpu.memory_space<vmem>>[vector<16xi32>, vector<16xi32>], vector<16xf32>,
    }
    %scan3A_26 = arith.constant 79 : i32
    "tpu.region"() ({
      %run_scoped3A = tpu.sem_alloc : memref<!tpu.dma_semaphore, #tpu.memory_space<semaphore_mem>>
      %dma_start3A = arith.constant 0 : i32
      %dma_start3A_32 = arith.constant 0 : i32
      %dma_start3A_33 = tpu.memref_slice %arg7[%dma_start3A, %dma_start3A_32] : memref<640x16xf32, #tpu.memory_space<vmem_shared>> -> memref<640x16xf32, #tpu.memory_space<vmem_shared>>
      tpu.enqueue_indirect_dma source(%arg5 : memref<640x16xf32, #tpu.memory_space<vmem>>) target(%dma_start3A_33 : memref<640x16xf32, #tpu.memory_space<vmem_shared>>) offsets(%arg6 : memref<640xi32, #tpu.memory_space<vmem>>) semaphore(%run_scoped3A : memref<!tpu.dma_semaphore, #tpu.memory_space<semaphore_mem>>) {add = true}
      %dma_wait3A = arith.constant 0 : i32
      %dma_wait3A_34 = arith.constant 0 : i32
      %dma_wait3A_35 = tpu.memref_slice %arg7[%dma_wait3A, %dma_wait3A_34] : memref<640x16xf32, #tpu.memory_space<vmem_shared>> -> memref<640x16xf32, #tpu.memory_space<vmem_shared>>
      tpu.wait_indirect_dma semaphore(%run_scoped3A : memref<!tpu.dma_semaphore, #tpu.memory_space<semaphore_mem>>) src(%arg5 : memref<640x16xf32, #tpu.memory_space<vmem>>) dst(%dma_wait3A_35 : memref<640x16xf32, #tpu.memory_space<vmem_shared>>)
      tpu.yield
    }) : () -> ()
    %barrier3A_27 = arith.constant 0 : index
    tpu.barrier barrier_id(%barrier3A_27)
    %mul3A_28 = arith.constant 40 : i32
    %mul3A_29 = arith.muli %arg1, %mul3A_28 : i32
    %mul3A_30 = arith.constant 40 : i32
    %mul3A_31 = arith.muli %arg1, %mul3A_30 : i32
    "tpu.region"() ({
      %run_scoped3A = tpu.sem_alloc : memref<!tpu.dma_semaphore, #tpu.memory_space<semaphore_mem>>
      %dma_start3A = arith.constant 0 : i32
      %dma_start3A_32 = tpu.memref_slice %arg3[%arg0, %mul3A_31, %dma_start3A] : memref<2x640x16xf32, #tpu.memory_space<hbm>> -> memref<1x40x16xf32, #tpu.memory_space<hbm>>
      %dma_start3A_33 = tpu.memref_squeeze %dma_start3A_32 : memref<1x40x16xf32, #tpu.memory_space<hbm>> -> memref<40x16xf32, #tpu.memory_space<hbm>>
      %dma_start3A_34 = arith.constant 0 : i32
      %dma_start3A_35 = tpu.memref_slice %arg7[%mul3A_29, %dma_start3A_34] : memref<640x16xf32, #tpu.memory_space<vmem_shared>> -> memref<40x16xf32, #tpu.memory_space<vmem_shared>>
      tpu.enqueue_dma source(%dma_start3A_35 : memref<40x16xf32, #tpu.memory_space<vmem_shared>>) target(%dma_start3A_33 : memref<40x16xf32, #tpu.memory_space<hbm>>) target_semaphore(%run_scoped3A : memref<!tpu.dma_semaphore, #tpu.memory_space<semaphore_mem>>)
      %dma_wait3A = arith.constant 0 : i32
      %dma_wait3A_36 = tpu.memref_slice %arg3[%arg0, %mul3A_31, %dma_wait3A] : memref<2x640x16xf32, #tpu.memory_space<hbm>> -> memref<1x40x16xf32, #tpu.memory_space<hbm>>
      %dma_wait3A_37 = tpu.memref_squeeze %dma_wait3A_36 : memref<1x40x16xf32, #tpu.memory_space<hbm>> -> memref<40x16xf32, #tpu.memory_space<hbm>>
      %dma_wait3A_38 = arith.constant 0 : i32
      %dma_wait3A_39 = tpu.memref_slice %arg7[%mul3A_29, %dma_wait3A_38] : memref<640x16xf32, #tpu.memory_space<vmem_shared>> -> memref<40x16xf32, #tpu.memory_space<vmem_shared>>
      tpu.wait_dma2 semaphore(%run_scoped3A : memref<!tpu.dma_semaphore, #tpu.memory_space<semaphore_mem>>) src(%dma_wait3A_39 : memref<40x16xf32, #tpu.memory_space<vmem_shared>>) dst(%dma_wait3A_37 : memref<40x16xf32, #tpu.memory_space<hbm>>)
      tpu.yield
    }) : () -> ()
    return
  }
}

#map = affine_map<(d0, d1) -> (0, 0)>
#map1 = affine_map<(d0, d1) -> (0, 0, 0)>
module attributes {stable_mosaic.version = 14 : i64} {
  func.func @_agg_kernel(%arg0: i32, %arg1: i32, %arg2: memref<10240x32xf32, #tpu.memory_space<hbm>>, %arg3: memref<32x79x128xi32, #tpu.memory_space<hbm>>, %arg4: memref<32x79x128xi32, #tpu.memory_space<hbm>>, %arg5: memref<2x10240x32xf32, #tpu.memory_space<hbm>>, %arg6: memref<79x128xi32, #tpu.memory_space<vmem>>, %arg7: memref<79x128xi32, #tpu.memory_space<vmem>>, %arg8: memref<4x128x32xf32, #tpu.memory_space<vmem>>, %arg9: memref<640x32xf32, #tpu.memory_space<vmem>>, %arg10: memref<10240x32xf32, #tpu.memory_space<vmem_shared>>, %arg11: memref<!tpu.dma_semaphore, #tpu.memory_space<semaphore_mem>>, %arg12: memref<!tpu.dma_semaphore, #tpu.memory_space<semaphore_mem>>) attributes {dimension_semantics = [#tpu.dimension_semantics<core_parallel>, #tpu.dimension_semantics<subcore_parallel>], iteration_bounds = array<i64: 2, 16>, scalar_prefetch = 0 : i64, scratch_operands = 7 : i64, tpu.core_type = #tpu.core_type<sc_vector_subcore>, window_params = [{transform_indices = #map}, {transform_indices = #map1}, {transform_indices = #map1}, {transform_indices = #map1}]} {
    %mul3A = arith.constant 2 : i32
    %mul3A_0 = arith.muli %arg1, %mul3A : i32
    %add3A = arith.addi %mul3A_0, %arg0 : i32
    %broadcast_in_dim3A = arith.constant 0.000000e+00 : f32
    %broadcast_in_dim3A_1 = vector.broadcast %broadcast_in_dim3A : f32 to vector<16xf32>
    %scan3A = arith.constant 0 : i32
    %scan3A_2 = arith.constant 0 : i32
    %scan3A_3 = arith.constant 640 : i32
    %scan3A_4 = arith.addi %scan3A_2, %scan3A_3 : i32
    %scan3A_5 = arith.constant 1 : i32
    scf.for %scan3A_66 = %scan3A_2 to %scan3A_4 step %scan3A_5  : i32 {
      %swap3A = arith.index_cast %scan3A_66 : i32 to index
      %swap3A_67 = arith.constant 0 : index
      %swap3A_68 = tpu.vector_load %arg9[%swap3A, %swap3A_67] {strides = array<i32>} : memref<640x32xf32, #tpu.memory_space<vmem>>, vector<16xf32>,
      tpu.vector_store %arg9[%swap3A, %swap3A_67], %broadcast_in_dim3A_1 {strides = array<i32>} : memref<640x32xf32, #tpu.memory_space<vmem>>, vector<16xf32>,
      %swap3A_69 = arith.index_cast %scan3A_66 : i32 to index
      %swap3A_70 = arith.constant 16 : index
      %swap3A_71 = tpu.vector_load %arg9[%swap3A_69, %swap3A_70] {strides = array<i32>} : memref<640x32xf32, #tpu.memory_space<vmem>>, vector<16xf32>,
      tpu.vector_store %arg9[%swap3A_69, %swap3A_70], %broadcast_in_dim3A_1 {strides = array<i32>} : memref<640x32xf32, #tpu.memory_space<vmem>>, vector<16xf32>,
    }
    %scan3A_6 = arith.constant 640 : i32
    %mul3A_7 = arith.constant 640 : i32
    %mul3A_8 = arith.muli %arg1, %mul3A_7 : i32
    "tpu.region"() ({
      %run_scoped3A = tpu.sem_alloc : memref<!tpu.dma_semaphore, #tpu.memory_space<semaphore_mem>>
      %dma_start3A_66 = arith.constant 0 : i32
      %dma_start3A_67 = tpu.memref_slice %arg10[%mul3A_8, %dma_start3A_66] : memref<10240x32xf32, #tpu.memory_space<vmem_shared>> -> memref<640x32xf32, #tpu.memory_space<vmem_shared>>
      %dma_start3A_68 = arith.constant 0 : i32
      %dma_start3A_69 = tpu.memref_slice %arg10[%mul3A_8, %dma_start3A_68] : memref<10240x32xf32, #tpu.memory_space<vmem_shared>> -> memref<640x32xf32, #tpu.memory_space<vmem_shared>>
      tpu.enqueue_dma source(%arg9 : memref<640x32xf32, #tpu.memory_space<vmem>>) target(%dma_start3A_69 : memref<640x32xf32, #tpu.memory_space<vmem_shared>>) target_semaphore(%run_scoped3A : memref<!tpu.dma_semaphore, #tpu.memory_space<semaphore_mem>>)
      %dma_wait3A_70 = arith.constant 0 : i32
      %dma_wait3A_71 = tpu.memref_slice %arg10[%mul3A_8, %dma_wait3A_70] : memref<10240x32xf32, #tpu.memory_space<vmem_shared>> -> memref<640x32xf32, #tpu.memory_space<vmem_shared>>
      %dma_wait3A_72 = arith.constant 0 : i32
      %dma_wait3A_73 = tpu.memref_slice %arg10[%mul3A_8, %dma_wait3A_72] : memref<10240x32xf32, #tpu.memory_space<vmem_shared>> -> memref<640x32xf32, #tpu.memory_space<vmem_shared>>
      tpu.wait_dma2 semaphore(%run_scoped3A : memref<!tpu.dma_semaphore, #tpu.memory_space<semaphore_mem>>) src(%arg9 : memref<640x32xf32, #tpu.memory_space<vmem>>) dst(%dma_wait3A_73 : memref<640x32xf32, #tpu.memory_space<vmem_shared>>)
      tpu.yield
    }) : () -> ()
    "tpu.region"() ({
      %run_scoped3A = tpu.sem_alloc : memref<!tpu.dma_semaphore, #tpu.memory_space<semaphore_mem>>
      %dma_start3A_66 = arith.constant 0 : i32
      %dma_start3A_67 = arith.constant 0 : i32
      %dma_start3A_68 = tpu.memref_slice %arg3[%add3A, %dma_start3A_66, %dma_start3A_67] : memref<32x79x128xi32, #tpu.memory_space<hbm>> -> memref<1x79x128xi32, #tpu.memory_space<hbm>>
      %dma_start3A_69 = tpu.memref_squeeze %dma_start3A_68 : memref<1x79x128xi32, #tpu.memory_space<hbm>> -> memref<79x128xi32, #tpu.memory_space<hbm>>
      %dma_start3A_70 = arith.constant 0 : i32
      %dma_start3A_71 = arith.constant 0 : i32
      %dma_start3A_72 = tpu.memref_slice %arg3[%add3A, %dma_start3A_70, %dma_start3A_71] : memref<32x79x128xi32, #tpu.memory_space<hbm>> -> memref<1x79x128xi32, #tpu.memory_space<hbm>>
      %dma_start3A_73 = tpu.memref_squeeze %dma_start3A_72 : memref<1x79x128xi32, #tpu.memory_space<hbm>> -> memref<79x128xi32, #tpu.memory_space<hbm>>
      tpu.enqueue_dma source(%dma_start3A_73 : memref<79x128xi32, #tpu.memory_space<hbm>>) target(%arg6 : memref<79x128xi32, #tpu.memory_space<vmem>>) target_semaphore(%run_scoped3A : memref<!tpu.dma_semaphore, #tpu.memory_space<semaphore_mem>>)
      %dma_wait3A_74 = arith.constant 0 : i32
      %dma_wait3A_75 = arith.constant 0 : i32
      %dma_wait3A_76 = tpu.memref_slice %arg3[%add3A, %dma_wait3A_74, %dma_wait3A_75] : memref<32x79x128xi32, #tpu.memory_space<hbm>> -> memref<1x79x128xi32, #tpu.memory_space<hbm>>
      %dma_wait3A_77 = tpu.memref_squeeze %dma_wait3A_76 : memref<1x79x128xi32, #tpu.memory_space<hbm>> -> memref<79x128xi32, #tpu.memory_space<hbm>>
      %dma_wait3A_78 = arith.constant 0 : i32
      %dma_wait3A_79 = arith.constant 0 : i32
      %dma_wait3A_80 = tpu.memref_slice %arg3[%add3A, %dma_wait3A_78, %dma_wait3A_79] : memref<32x79x128xi32, #tpu.memory_space<hbm>> -> memref<1x79x128xi32, #tpu.memory_space<hbm>>
      %dma_wait3A_81 = tpu.memref_squeeze %dma_wait3A_80 : memref<1x79x128xi32, #tpu.memory_space<hbm>> -> memref<79x128xi32, #tpu.memory_space<hbm>>
      tpu.wait_dma2 semaphore(%run_scoped3A : memref<!tpu.dma_semaphore, #tpu.memory_space<semaphore_mem>>) src(%dma_wait3A_81 : memref<79x128xi32, #tpu.memory_space<hbm>>) dst(%arg6 : memref<79x128xi32, #tpu.memory_space<vmem>>)
      tpu.yield
    }) : () -> ()
    "tpu.region"() ({
      %run_scoped3A = tpu.sem_alloc : memref<!tpu.dma_semaphore, #tpu.memory_space<semaphore_mem>>
      %dma_start3A_66 = arith.constant 0 : i32
      %dma_start3A_67 = arith.constant 0 : i32
      %dma_start3A_68 = tpu.memref_slice %arg4[%add3A, %dma_start3A_66, %dma_start3A_67] : memref<32x79x128xi32, #tpu.memory_space<hbm>> -> memref<1x79x128xi32, #tpu.memory_space<hbm>>
      %dma_start3A_69 = tpu.memref_squeeze %dma_start3A_68 : memref<1x79x128xi32, #tpu.memory_space<hbm>> -> memref<79x128xi32, #tpu.memory_space<hbm>>
      %dma_start3A_70 = arith.constant 0 : i32
      %dma_start3A_71 = arith.constant 0 : i32
      %dma_start3A_72 = tpu.memref_slice %arg4[%add3A, %dma_start3A_70, %dma_start3A_71] : memref<32x79x128xi32, #tpu.memory_space<hbm>> -> memref<1x79x128xi32, #tpu.memory_space<hbm>>
      %dma_start3A_73 = tpu.memref_squeeze %dma_start3A_72 : memref<1x79x128xi32, #tpu.memory_space<hbm>> -> memref<79x128xi32, #tpu.memory_space<hbm>>
      tpu.enqueue_dma source(%dma_start3A_73 : memref<79x128xi32, #tpu.memory_space<hbm>>) target(%arg7 : memref<79x128xi32, #tpu.memory_space<vmem>>) target_semaphore(%run_scoped3A : memref<!tpu.dma_semaphore, #tpu.memory_space<semaphore_mem>>)
      %dma_wait3A_74 = arith.constant 0 : i32
      %dma_wait3A_75 = arith.constant 0 : i32
      %dma_wait3A_76 = tpu.memref_slice %arg4[%add3A, %dma_wait3A_74, %dma_wait3A_75] : memref<32x79x128xi32, #tpu.memory_space<hbm>> -> memref<1x79x128xi32, #tpu.memory_space<hbm>>
      %dma_wait3A_77 = tpu.memref_squeeze %dma_wait3A_76 : memref<1x79x128xi32, #tpu.memory_space<hbm>> -> memref<79x128xi32, #tpu.memory_space<hbm>>
      %dma_wait3A_78 = arith.constant 0 : i32
      %dma_wait3A_79 = arith.constant 0 : i32
      %dma_wait3A_80 = tpu.memref_slice %arg4[%add3A, %dma_wait3A_78, %dma_wait3A_79] : memref<32x79x128xi32, #tpu.memory_space<hbm>> -> memref<1x79x128xi32, #tpu.memory_space<hbm>>
      %dma_wait3A_81 = tpu.memref_squeeze %dma_wait3A_80 : memref<1x79x128xi32, #tpu.memory_space<hbm>> -> memref<79x128xi32, #tpu.memory_space<hbm>>
      tpu.wait_dma2 semaphore(%run_scoped3A : memref<!tpu.dma_semaphore, #tpu.memory_space<semaphore_mem>>) src(%dma_wait3A_81 : memref<79x128xi32, #tpu.memory_space<hbm>>) dst(%arg7 : memref<79x128xi32, #tpu.memory_space<vmem>>)
      tpu.yield
    }) : () -> ()
    %barrier3A = arith.constant 0 : index
    tpu.barrier barrier_id(%barrier3A)
    %dma_start3A = arith.constant 0 : i32
    %dma_start3A_9 = arith.constant 0 : i32
    %dma_start3A_10 = arith.constant 0 : i32
    %dma_start3A_11 = arith.constant 0 : i32
    %dma_start3A_12 = tpu.memref_slice %arg8[%dma_start3A_9, %dma_start3A_10, %dma_start3A_11] : memref<4x128x32xf32, #tpu.memory_space<vmem>> -> memref<1x128x32xf32, #tpu.memory_space<vmem>>
    %dma_start3A_13 = tpu.memref_squeeze %dma_start3A_12 : memref<1x128x32xf32, #tpu.memory_space<vmem>> -> memref<128x32xf32, #tpu.memory_space<vmem>>
    %dma_start3A_14 = arith.constant 0 : i32
    %dma_start3A_15 = tpu.memref_slice %arg6[%dma_start3A, %dma_start3A_14] : memref<79x128xi32, #tpu.memory_space<vmem>> -> memref<1x128xi32, #tpu.memory_space<vmem>>
    %dma_start3A_16 = tpu.memref_squeeze %dma_start3A_15 : memref<1x128xi32, #tpu.memory_space<vmem>> -> memref<128xi32, #tpu.memory_space<vmem>>
    %dma_start3A_17 = arith.constant 0 : i32
    %dma_start3A_18 = arith.constant 0 : i32
    %dma_start3A_19 = tpu.memref_slice %arg2[%dma_start3A_17, %dma_start3A_18] : memref<10240x32xf32, #tpu.memory_space<hbm>> -> memref<10240x32xf32, #tpu.memory_space<hbm>>
    tpu.enqueue_indirect_dma source(%dma_start3A_19 : memref<10240x32xf32, #tpu.memory_space<hbm>>) target(%dma_start3A_13 : memref<128x32xf32, #tpu.memory_space<vmem>>) offsets(%dma_start3A_16 : memref<128xi32, #tpu.memory_space<vmem>>) semaphore(%arg11 : memref<!tpu.dma_semaphore, #tpu.memory_space<semaphore_mem>>)
    %dma_start3A_20 = arith.constant 1 : i32
    %dma_start3A_21 = arith.constant 1 : i32
    %dma_start3A_22 = arith.constant 0 : i32
    %dma_start3A_23 = arith.constant 0 : i32
    %dma_start3A_24 = tpu.memref_slice %arg8[%dma_start3A_21, %dma_start3A_22, %dma_start3A_23] : memref<4x128x32xf32, #tpu.memory_space<vmem>> -> memref<1x128x32xf32, #tpu.memory_space<vmem>>
    %dma_start3A_25 = tpu.memref_squeeze %dma_start3A_24 : memref<1x128x32xf32, #tpu.memory_space<vmem>> -> memref<128x32xf32, #tpu.memory_space<vmem>>
    %dma_start3A_26 = arith.constant 0 : i32
    %dma_start3A_27 = tpu.memref_slice %arg6[%dma_start3A_20, %dma_start3A_26] : memref<79x128xi32, #tpu.memory_space<vmem>> -> memref<1x128xi32, #tpu.memory_space<vmem>>
    %dma_start3A_28 = tpu.memref_squeeze %dma_start3A_27 : memref<1x128xi32, #tpu.memory_space<vmem>> -> memref<128xi32, #tpu.memory_space<vmem>>
    %dma_start3A_29 = arith.constant 0 : i32
    %dma_start3A_30 = arith.constant 0 : i32
    %dma_start3A_31 = tpu.memref_slice %arg2[%dma_start3A_29, %dma_start3A_30] : memref<10240x32xf32, #tpu.memory_space<hbm>> -> memref<10240x32xf32, #tpu.memory_space<hbm>>
    tpu.enqueue_indirect_dma source(%dma_start3A_31 : memref<10240x32xf32, #tpu.memory_space<hbm>>) target(%dma_start3A_25 : memref<128x32xf32, #tpu.memory_space<vmem>>) offsets(%dma_start3A_28 : memref<128xi32, #tpu.memory_space<vmem>>) semaphore(%arg11 : memref<!tpu.dma_semaphore, #tpu.memory_space<semaphore_mem>>)
    %scan3A_32 = arith.constant 0 : i32
    %scan3A_33 = arith.constant 0 : i32
    %scan3A_34 = arith.constant 79 : i32
    %scan3A_35 = arith.addi %scan3A_33, %scan3A_34 : i32
    %scan3A_36 = arith.constant 1 : i32
    scf.for %scan3A_66 = %scan3A_33 to %scan3A_35 step %scan3A_36  : i32 {
      %and3A = arith.constant 3 : i32
      %and3A_67 = arith.andi %scan3A_66, %and3A : i32
      %dma_wait3A_68 = arith.constant 0 : i32
      %dma_wait3A_69 = arith.constant 0 : i32
      %dma_wait3A_70 = tpu.memref_slice %arg8[%and3A_67, %dma_wait3A_68, %dma_wait3A_69] : memref<4x128x32xf32, #tpu.memory_space<vmem>> -> memref<1x128x32xf32, #tpu.memory_space<vmem>>
      %dma_wait3A_71 = tpu.memref_squeeze %dma_wait3A_70 : memref<1x128x32xf32, #tpu.memory_space<vmem>> -> memref<128x32xf32, #tpu.memory_space<vmem>>
      %dma_wait3A_72 = arith.constant 0 : i32
      %dma_wait3A_73 = tpu.memref_slice %arg6[%scan3A_66, %dma_wait3A_72] : memref<79x128xi32, #tpu.memory_space<vmem>> -> memref<1x128xi32, #tpu.memory_space<vmem>>
      %dma_wait3A_74 = tpu.memref_squeeze %dma_wait3A_73 : memref<1x128xi32, #tpu.memory_space<vmem>> -> memref<128xi32, #tpu.memory_space<vmem>>
      %dma_wait3A_75 = arith.constant 0 : i32
      %dma_wait3A_76 = arith.constant 0 : i32
      %dma_wait3A_77 = tpu.memref_slice %arg2[%dma_wait3A_75, %dma_wait3A_76] : memref<10240x32xf32, #tpu.memory_space<hbm>> -> memref<10240x32xf32, #tpu.memory_space<hbm>>
      tpu.wait_indirect_dma semaphore(%arg11 : memref<!tpu.dma_semaphore, #tpu.memory_space<semaphore_mem>>) src(%dma_wait3A_77 : memref<10240x32xf32, #tpu.memory_space<hbm>>) dst(%dma_wait3A_71 : memref<128x32xf32, #tpu.memory_space<vmem>>)
      %and3A_78 = arith.constant 3 : i32
      %and3A_79 = arith.andi %scan3A_66, %and3A_78 : i32
      %dma_start3A_80 = arith.constant 0 : i32
      %dma_start3A_81 = arith.constant 0 : i32
      %dma_start3A_82 = tpu.memref_slice %arg8[%and3A_79, %dma_start3A_80, %dma_start3A_81] : memref<4x128x32xf32, #tpu.memory_space<vmem>> -> memref<1x128x32xf32, #tpu.memory_space<vmem>>
      %dma_start3A_83 = tpu.memref_squeeze %dma_start3A_82 : memref<1x128x32xf32, #tpu.memory_space<vmem>> -> memref<128x32xf32, #tpu.memory_space<vmem>>
      %dma_start3A_84 = arith.constant 0 : i32
      %dma_start3A_85 = tpu.memref_slice %arg7[%scan3A_66, %dma_start3A_84] : memref<79x128xi32, #tpu.memory_space<vmem>> -> memref<1x128xi32, #tpu.memory_space<vmem>>
      %dma_start3A_86 = tpu.memref_squeeze %dma_start3A_85 : memref<1x128xi32, #tpu.memory_space<vmem>> -> memref<128xi32, #tpu.memory_space<vmem>>
      %dma_start3A_87 = arith.constant 0 : i32
      %dma_start3A_88 = arith.constant 0 : i32
      %dma_start3A_89 = tpu.memref_slice %arg10[%dma_start3A_87, %dma_start3A_88] : memref<10240x32xf32, #tpu.memory_space<vmem_shared>> -> memref<10240x32xf32, #tpu.memory_space<vmem_shared>>
      tpu.enqueue_indirect_dma source(%dma_start3A_83 : memref<128x32xf32, #tpu.memory_space<vmem>>) target(%dma_start3A_89 : memref<10240x32xf32, #tpu.memory_space<vmem_shared>>) offsets(%dma_start3A_86 : memref<128xi32, #tpu.memory_space<vmem>>) semaphore(%arg12 : memref<!tpu.dma_semaphore, #tpu.memory_space<semaphore_mem>>) {add = true}
      %ge3A = arith.constant 2 : i32
      %ge3A_90 = arith.cmpi sge, %scan3A_66, %ge3A : i32
      %convert_element_type3A = arith.extui %ge3A_90 : i1 to i32
      %cond3A = arith.constant 0 : i32
      %cond3A_91 = arith.cmpi ne, %convert_element_type3A, %cond3A : i32
      scf.if %cond3A_91 {
        %sub3A = arith.constant 2 : i32
        %sub3A_98 = arith.subi %scan3A_66, %sub3A : i32
        %and3A_99 = arith.constant 3 : i32
        %and3A_100 = arith.andi %sub3A_98, %and3A_99 : i32
        %dma_wait3A_101 = arith.constant 0 : i32
        %dma_wait3A_102 = arith.constant 0 : i32
        %dma_wait3A_103 = tpu.memref_slice %arg8[%and3A_100, %dma_wait3A_101, %dma_wait3A_102] : memref<4x128x32xf32, #tpu.memory_space<vmem>> -> memref<1x128x32xf32, #tpu.memory_space<vmem>>
        %dma_wait3A_104 = tpu.memref_squeeze %dma_wait3A_103 : memref<1x128x32xf32, #tpu.memory_space<vmem>> -> memref<128x32xf32, #tpu.memory_space<vmem>>
        %dma_wait3A_105 = arith.constant 0 : i32
        %dma_wait3A_106 = tpu.memref_slice %arg7[%scan3A_66, %dma_wait3A_105] : memref<79x128xi32, #tpu.memory_space<vmem>> -> memref<1x128xi32, #tpu.memory_space<vmem>>
        %dma_wait3A_107 = tpu.memref_squeeze %dma_wait3A_106 : memref<1x128xi32, #tpu.memory_space<vmem>> -> memref<128xi32, #tpu.memory_space<vmem>>
        %dma_wait3A_108 = arith.constant 0 : i32
        %dma_wait3A_109 = arith.constant 0 : i32
        %dma_wait3A_110 = tpu.memref_slice %arg10[%dma_wait3A_108, %dma_wait3A_109] : memref<10240x32xf32, #tpu.memory_space<vmem_shared>> -> memref<10240x32xf32, #tpu.memory_space<vmem_shared>>
        tpu.wait_indirect_dma semaphore(%arg12 : memref<!tpu.dma_semaphore, #tpu.memory_space<semaphore_mem>>) src(%dma_wait3A_104 : memref<128x32xf32, #tpu.memory_space<vmem>>) dst(%dma_wait3A_110 : memref<10240x32xf32, #tpu.memory_space<vmem_shared>>)
      } else {
      }
      %add3A_92 = arith.constant 2 : i32
      %add3A_93 = arith.addi %scan3A_66, %add3A_92 : i32
      %lt3A = arith.constant 79 : i32
      %lt3A_94 = arith.cmpi slt, %add3A_93, %lt3A : i32
      %convert_element_type3A_95 = arith.extui %lt3A_94 : i1 to i32
      %cond3A_96 = arith.constant 0 : i32
      %cond3A_97 = arith.cmpi ne, %convert_element_type3A_95, %cond3A_96 : i32
      scf.if %cond3A_97 {
        %and3A_98 = arith.constant 3 : i32
        %and3A_99 = arith.andi %add3A_93, %and3A_98 : i32
        %dma_start3A_100 = arith.constant 0 : i32
        %dma_start3A_101 = arith.constant 0 : i32
        %dma_start3A_102 = tpu.memref_slice %arg8[%and3A_99, %dma_start3A_100, %dma_start3A_101] : memref<4x128x32xf32, #tpu.memory_space<vmem>> -> memref<1x128x32xf32, #tpu.memory_space<vmem>>
        %dma_start3A_103 = tpu.memref_squeeze %dma_start3A_102 : memref<1x128x32xf32, #tpu.memory_space<vmem>> -> memref<128x32xf32, #tpu.memory_space<vmem>>
        %dma_start3A_104 = arith.constant 0 : i32
        %dma_start3A_105 = tpu.memref_slice %arg6[%add3A_93, %dma_start3A_104] : memref<79x128xi32, #tpu.memory_space<vmem>> -> memref<1x128xi32, #tpu.memory_space<vmem>>
        %dma_start3A_106 = tpu.memref_squeeze %dma_start3A_105 : memref<1x128xi32, #tpu.memory_space<vmem>> -> memref<128xi32, #tpu.memory_space<vmem>>
        %dma_start3A_107 = arith.constant 0 : i32
        %dma_start3A_108 = arith.constant 0 : i32
        %dma_start3A_109 = tpu.memref_slice %arg2[%dma_start3A_107, %dma_start3A_108] : memref<10240x32xf32, #tpu.memory_space<hbm>> -> memref<10240x32xf32, #tpu.memory_space<hbm>>
        tpu.enqueue_indirect_dma source(%dma_start3A_109 : memref<10240x32xf32, #tpu.memory_space<hbm>>) target(%dma_start3A_103 : memref<128x32xf32, #tpu.memory_space<vmem>>) offsets(%dma_start3A_106 : memref<128xi32, #tpu.memory_space<vmem>>) semaphore(%arg11 : memref<!tpu.dma_semaphore, #tpu.memory_space<semaphore_mem>>)
      } else {
      }
    }
    %scan3A_37 = arith.constant 79 : i32
    %dma_wait3A = arith.constant 0 : i32
    %dma_wait3A_38 = arith.constant 0 : i32
    %dma_wait3A_39 = arith.constant 0 : i32
    %dma_wait3A_40 = arith.constant 0 : i32
    %dma_wait3A_41 = tpu.memref_slice %arg8[%dma_wait3A, %dma_wait3A_39, %dma_wait3A_40] : memref<4x128x32xf32, #tpu.memory_space<vmem>> -> memref<1x128x32xf32, #tpu.memory_space<vmem>>
    %dma_wait3A_42 = tpu.memref_squeeze %dma_wait3A_41 : memref<1x128x32xf32, #tpu.memory_space<vmem>> -> memref<128x32xf32, #tpu.memory_space<vmem>>
    %dma_wait3A_43 = arith.constant 0 : i32
    %dma_wait3A_44 = tpu.memref_slice %arg7[%dma_wait3A_38, %dma_wait3A_43] : memref<79x128xi32, #tpu.memory_space<vmem>> -> memref<1x128xi32, #tpu.memory_space<vmem>>
    %dma_wait3A_45 = tpu.memref_squeeze %dma_wait3A_44 : memref<1x128xi32, #tpu.memory_space<vmem>> -> memref<128xi32, #tpu.memory_space<vmem>>
    %dma_wait3A_46 = arith.constant 0 : i32
    %dma_wait3A_47 = arith.constant 0 : i32
    %dma_wait3A_48 = tpu.memref_slice %arg10[%dma_wait3A_46, %dma_wait3A_47] : memref<10240x32xf32, #tpu.memory_space<vmem_shared>> -> memref<10240x32xf32, #tpu.memory_space<vmem_shared>>
    tpu.wait_indirect_dma semaphore(%arg12 : memref<!tpu.dma_semaphore, #tpu.memory_space<semaphore_mem>>) src(%dma_wait3A_42 : memref<128x32xf32, #tpu.memory_space<vmem>>) dst(%dma_wait3A_48 : memref<10240x32xf32, #tpu.memory_space<vmem_shared>>)
    %dma_wait3A_49 = arith.constant 1 : i32
    %dma_wait3A_50 = arith.constant 1 : i32
    %dma_wait3A_51 = arith.constant 0 : i32
    %dma_wait3A_52 = arith.constant 0 : i32
    %dma_wait3A_53 = tpu.memref_slice %arg8[%dma_wait3A_49, %dma_wait3A_51, %dma_wait3A_52] : memref<4x128x32xf32, #tpu.memory_space<vmem>> -> memref<1x128x32xf32, #tpu.memory_space<vmem>>
    %dma_wait3A_54 = tpu.memref_squeeze %dma_wait3A_53 : memref<1x128x32xf32, #tpu.memory_space<vmem>> -> memref<128x32xf32, #tpu.memory_space<vmem>>
    %dma_wait3A_55 = arith.constant 0 : i32
    %dma_wait3A_56 = tpu.memref_slice %arg7[%dma_wait3A_50, %dma_wait3A_55] : memref<79x128xi32, #tpu.memory_space<vmem>> -> memref<1x128xi32, #tpu.memory_space<vmem>>
    %dma_wait3A_57 = tpu.memref_squeeze %dma_wait3A_56 : memref<1x128xi32, #tpu.memory_space<vmem>> -> memref<128xi32, #tpu.memory_space<vmem>>
    %dma_wait3A_58 = arith.constant 0 : i32
    %dma_wait3A_59 = arith.constant 0 : i32
    %dma_wait3A_60 = tpu.memref_slice %arg10[%dma_wait3A_58, %dma_wait3A_59] : memref<10240x32xf32, #tpu.memory_space<vmem_shared>> -> memref<10240x32xf32, #tpu.memory_space<vmem_shared>>
    tpu.wait_indirect_dma semaphore(%arg12 : memref<!tpu.dma_semaphore, #tpu.memory_space<semaphore_mem>>) src(%dma_wait3A_54 : memref<128x32xf32, #tpu.memory_space<vmem>>) dst(%dma_wait3A_60 : memref<10240x32xf32, #tpu.memory_space<vmem_shared>>)
    %barrier3A_61 = arith.constant 0 : index
    tpu.barrier barrier_id(%barrier3A_61)
    %mul3A_62 = arith.constant 640 : i32
    %mul3A_63 = arith.muli %arg1, %mul3A_62 : i32
    %mul3A_64 = arith.constant 640 : i32
    %mul3A_65 = arith.muli %arg1, %mul3A_64 : i32
    "tpu.region"() ({
      %run_scoped3A = tpu.sem_alloc : memref<!tpu.dma_semaphore, #tpu.memory_space<semaphore_mem>>
      %dma_start3A_66 = arith.constant 0 : i32
      %dma_start3A_67 = tpu.memref_slice %arg5[%arg0, %mul3A_65, %dma_start3A_66] : memref<2x10240x32xf32, #tpu.memory_space<hbm>> -> memref<1x640x32xf32, #tpu.memory_space<hbm>>
      %dma_start3A_68 = tpu.memref_squeeze %dma_start3A_67 : memref<1x640x32xf32, #tpu.memory_space<hbm>> -> memref<640x32xf32, #tpu.memory_space<hbm>>
      %dma_start3A_69 = arith.constant 0 : i32
      %dma_start3A_70 = tpu.memref_slice %arg10[%mul3A_63, %dma_start3A_69] : memref<10240x32xf32, #tpu.memory_space<vmem_shared>> -> memref<640x32xf32, #tpu.memory_space<vmem_shared>>
      tpu.enqueue_dma source(%dma_start3A_70 : memref<640x32xf32, #tpu.memory_space<vmem_shared>>) target(%dma_start3A_68 : memref<640x32xf32, #tpu.memory_space<hbm>>) target_semaphore(%run_scoped3A : memref<!tpu.dma_semaphore, #tpu.memory_space<semaphore_mem>>)
      %dma_wait3A_71 = arith.constant 0 : i32
      %dma_wait3A_72 = tpu.memref_slice %arg5[%arg0, %mul3A_65, %dma_wait3A_71] : memref<2x10240x32xf32, #tpu.memory_space<hbm>> -> memref<1x640x32xf32, #tpu.memory_space<hbm>>
      %dma_wait3A_73 = tpu.memref_squeeze %dma_wait3A_72 : memref<1x640x32xf32, #tpu.memory_space<hbm>> -> memref<640x32xf32, #tpu.memory_space<hbm>>
      %dma_wait3A_74 = arith.constant 0 : i32
      %dma_wait3A_75 = tpu.memref_slice %arg10[%mul3A_63, %dma_wait3A_74] : memref<10240x32xf32, #tpu.memory_space<vmem_shared>> -> memref<640x32xf32, #tpu.memory_space<vmem_shared>>
      tpu.wait_dma2 semaphore(%run_scoped3A : memref<!tpu.dma_semaphore, #tpu.memory_space<semaphore_mem>>) src(%dma_wait3A_75 : memref<640x32xf32, #tpu.memory_space<vmem_shared>>) dst(%dma_wait3A_73 : memref<640x32xf32, #tpu.memory_space<hbm>>)
      tpu.yield
    }) : () -> ()
    return
  }
}

#map = affine_map<(d0, d1) -> (0, 0)>
#map1 = affine_map<(d0, d1) -> (0, 0, 0)>
module attributes {stable_mosaic.version = 14 : i64} {
  func.func @_agg_kernel(%arg0: i32, %arg1: i32, %arg2: memref<10240x32xf32, #tpu.memory_space<hbm>>, %arg3: memref<32x79x128xi32, #tpu.memory_space<hbm>>, %arg4: memref<32x79x128xi32, #tpu.memory_space<hbm>>, %arg5: memref<2x10240x32xf32, #tpu.memory_space<hbm>>, %arg6: memref<79x128xi32, #tpu.memory_space<vmem>>, %arg7: memref<79x128xi32, #tpu.memory_space<vmem>>, %arg8: memref<4x128x32xf32, #tpu.memory_space<vmem>>, %arg9: memref<640x32xf32, #tpu.memory_space<vmem>>, %arg10: memref<10240x32xf32, #tpu.memory_space<vmem_shared>>, %arg11: memref<!tpu.dma_semaphore, #tpu.memory_space<semaphore_mem>>, %arg12: memref<!tpu.dma_semaphore, #tpu.memory_space<semaphore_mem>>) attributes {dimension_semantics = [#tpu.dimension_semantics<core_parallel>, #tpu.dimension_semantics<subcore_parallel>], iteration_bounds = array<i64: 2, 16>, scalar_prefetch = 0 : i64, scratch_operands = 7 : i64, tpu.core_type = #tpu.core_type<sc_vector_subcore>, window_params = [{transform_indices = #map}, {transform_indices = #map1}, {transform_indices = #map1}, {transform_indices = #map1}]} {
    %mul3A = arith.constant 2 : i32
    %mul3A_0 = arith.muli %arg1, %mul3A : i32
    %add3A = arith.addi %mul3A_0, %arg0 : i32
    %broadcast_in_dim3A = arith.constant 0.000000e+00 : f32
    %broadcast_in_dim3A_1 = vector.broadcast %broadcast_in_dim3A : f32 to vector<16xf32>
    %scan3A = arith.constant 0 : i32
    %scan3A_2 = arith.constant 0 : i32
    %scan3A_3 = arith.constant 640 : i32
    %scan3A_4 = arith.addi %scan3A_2, %scan3A_3 : i32
    %scan3A_5 = arith.constant 1 : i32
    scf.for %scan3A_66 = %scan3A_2 to %scan3A_4 step %scan3A_5  : i32 {
      %swap3A = arith.index_cast %scan3A_66 : i32 to index
      %swap3A_67 = arith.constant 0 : index
      %swap3A_68 = tpu.vector_load %arg9[%swap3A, %swap3A_67] {strides = array<i32>} : memref<640x32xf32, #tpu.memory_space<vmem>>, vector<16xf32>,
      tpu.vector_store %arg9[%swap3A, %swap3A_67], %broadcast_in_dim3A_1 {strides = array<i32>} : memref<640x32xf32, #tpu.memory_space<vmem>>, vector<16xf32>,
      %swap3A_69 = arith.index_cast %scan3A_66 : i32 to index
      %swap3A_70 = arith.constant 16 : index
      %swap3A_71 = tpu.vector_load %arg9[%swap3A_69, %swap3A_70] {strides = array<i32>} : memref<640x32xf32, #tpu.memory_space<vmem>>, vector<16xf32>,
      tpu.vector_store %arg9[%swap3A_69, %swap3A_70], %broadcast_in_dim3A_1 {strides = array<i32>} : memref<640x32xf32, #tpu.memory_space<vmem>>, vector<16xf32>,
    }
    %scan3A_6 = arith.constant 640 : i32
    %mul3A_7 = arith.constant 640 : i32
    %mul3A_8 = arith.muli %arg1, %mul3A_7 : i32
    "tpu.region"() ({
      %run_scoped3A = tpu.sem_alloc : memref<!tpu.dma_semaphore, #tpu.memory_space<semaphore_mem>>
      %dma_start3A_66 = arith.constant 0 : i32
      %dma_start3A_67 = tpu.memref_slice %arg10[%mul3A_8, %dma_start3A_66] : memref<10240x32xf32, #tpu.memory_space<vmem_shared>> -> memref<640x32xf32, #tpu.memory_space<vmem_shared>>
      %dma_start3A_68 = arith.constant 0 : i32
      %dma_start3A_69 = tpu.memref_slice %arg10[%mul3A_8, %dma_start3A_68] : memref<10240x32xf32, #tpu.memory_space<vmem_shared>> -> memref<640x32xf32, #tpu.memory_space<vmem_shared>>
      tpu.enqueue_dma source(%arg9 : memref<640x32xf32, #tpu.memory_space<vmem>>) target(%dma_start3A_69 : memref<640x32xf32, #tpu.memory_space<vmem_shared>>) target_semaphore(%run_scoped3A : memref<!tpu.dma_semaphore, #tpu.memory_space<semaphore_mem>>)
      %dma_wait3A_70 = arith.constant 0 : i32
      %dma_wait3A_71 = tpu.memref_slice %arg10[%mul3A_8, %dma_wait3A_70] : memref<10240x32xf32, #tpu.memory_space<vmem_shared>> -> memref<640x32xf32, #tpu.memory_space<vmem_shared>>
      %dma_wait3A_72 = arith.constant 0 : i32
      %dma_wait3A_73 = tpu.memref_slice %arg10[%mul3A_8, %dma_wait3A_72] : memref<10240x32xf32, #tpu.memory_space<vmem_shared>> -> memref<640x32xf32, #tpu.memory_space<vmem_shared>>
      tpu.wait_dma2 semaphore(%run_scoped3A : memref<!tpu.dma_semaphore, #tpu.memory_space<semaphore_mem>>) src(%arg9 : memref<640x32xf32, #tpu.memory_space<vmem>>) dst(%dma_wait3A_73 : memref<640x32xf32, #tpu.memory_space<vmem_shared>>)
      tpu.yield
    }) : () -> ()
    "tpu.region"() ({
      %run_scoped3A = tpu.sem_alloc : memref<!tpu.dma_semaphore, #tpu.memory_space<semaphore_mem>>
      %dma_start3A_66 = arith.constant 0 : i32
      %dma_start3A_67 = arith.constant 0 : i32
      %dma_start3A_68 = tpu.memref_slice %arg3[%add3A, %dma_start3A_66, %dma_start3A_67] : memref<32x79x128xi32, #tpu.memory_space<hbm>> -> memref<1x79x128xi32, #tpu.memory_space<hbm>>
      %dma_start3A_69 = tpu.memref_squeeze %dma_start3A_68 : memref<1x79x128xi32, #tpu.memory_space<hbm>> -> memref<79x128xi32, #tpu.memory_space<hbm>>
      %dma_start3A_70 = arith.constant 0 : i32
      %dma_start3A_71 = arith.constant 0 : i32
      %dma_start3A_72 = tpu.memref_slice %arg3[%add3A, %dma_start3A_70, %dma_start3A_71] : memref<32x79x128xi32, #tpu.memory_space<hbm>> -> memref<1x79x128xi32, #tpu.memory_space<hbm>>
      %dma_start3A_73 = tpu.memref_squeeze %dma_start3A_72 : memref<1x79x128xi32, #tpu.memory_space<hbm>> -> memref<79x128xi32, #tpu.memory_space<hbm>>
      tpu.enqueue_dma source(%dma_start3A_73 : memref<79x128xi32, #tpu.memory_space<hbm>>) target(%arg6 : memref<79x128xi32, #tpu.memory_space<vmem>>) target_semaphore(%run_scoped3A : memref<!tpu.dma_semaphore, #tpu.memory_space<semaphore_mem>>)
      %dma_wait3A_74 = arith.constant 0 : i32
      %dma_wait3A_75 = arith.constant 0 : i32
      %dma_wait3A_76 = tpu.memref_slice %arg3[%add3A, %dma_wait3A_74, %dma_wait3A_75] : memref<32x79x128xi32, #tpu.memory_space<hbm>> -> memref<1x79x128xi32, #tpu.memory_space<hbm>>
      %dma_wait3A_77 = tpu.memref_squeeze %dma_wait3A_76 : memref<1x79x128xi32, #tpu.memory_space<hbm>> -> memref<79x128xi32, #tpu.memory_space<hbm>>
      %dma_wait3A_78 = arith.constant 0 : i32
      %dma_wait3A_79 = arith.constant 0 : i32
      %dma_wait3A_80 = tpu.memref_slice %arg3[%add3A, %dma_wait3A_78, %dma_wait3A_79] : memref<32x79x128xi32, #tpu.memory_space<hbm>> -> memref<1x79x128xi32, #tpu.memory_space<hbm>>
      %dma_wait3A_81 = tpu.memref_squeeze %dma_wait3A_80 : memref<1x79x128xi32, #tpu.memory_space<hbm>> -> memref<79x128xi32, #tpu.memory_space<hbm>>
      tpu.wait_dma2 semaphore(%run_scoped3A : memref<!tpu.dma_semaphore, #tpu.memory_space<semaphore_mem>>) src(%dma_wait3A_81 : memref<79x128xi32, #tpu.memory_space<hbm>>) dst(%arg6 : memref<79x128xi32, #tpu.memory_space<vmem>>)
      tpu.yield
    }) : () -> ()
    "tpu.region"() ({
      %run_scoped3A = tpu.sem_alloc : memref<!tpu.dma_semaphore, #tpu.memory_space<semaphore_mem>>
      %dma_start3A_66 = arith.constant 0 : i32
      %dma_start3A_67 = arith.constant 0 : i32
      %dma_start3A_68 = tpu.memref_slice %arg4[%add3A, %dma_start3A_66, %dma_start3A_67] : memref<32x79x128xi32, #tpu.memory_space<hbm>> -> memref<1x79x128xi32, #tpu.memory_space<hbm>>
      %dma_start3A_69 = tpu.memref_squeeze %dma_start3A_68 : memref<1x79x128xi32, #tpu.memory_space<hbm>> -> memref<79x128xi32, #tpu.memory_space<hbm>>
      %dma_start3A_70 = arith.constant 0 : i32
      %dma_start3A_71 = arith.constant 0 : i32
      %dma_start3A_72 = tpu.memref_slice %arg4[%add3A, %dma_start3A_70, %dma_start3A_71] : memref<32x79x128xi32, #tpu.memory_space<hbm>> -> memref<1x79x128xi32, #tpu.memory_space<hbm>>
      %dma_start3A_73 = tpu.memref_squeeze %dma_start3A_72 : memref<1x79x128xi32, #tpu.memory_space<hbm>> -> memref<79x128xi32, #tpu.memory_space<hbm>>
      tpu.enqueue_dma source(%dma_start3A_73 : memref<79x128xi32, #tpu.memory_space<hbm>>) target(%arg7 : memref<79x128xi32, #tpu.memory_space<vmem>>) target_semaphore(%run_scoped3A : memref<!tpu.dma_semaphore, #tpu.memory_space<semaphore_mem>>)
      %dma_wait3A_74 = arith.constant 0 : i32
      %dma_wait3A_75 = arith.constant 0 : i32
      %dma_wait3A_76 = tpu.memref_slice %arg4[%add3A, %dma_wait3A_74, %dma_wait3A_75] : memref<32x79x128xi32, #tpu.memory_space<hbm>> -> memref<1x79x128xi32, #tpu.memory_space<hbm>>
      %dma_wait3A_77 = tpu.memref_squeeze %dma_wait3A_76 : memref<1x79x128xi32, #tpu.memory_space<hbm>> -> memref<79x128xi32, #tpu.memory_space<hbm>>
      %dma_wait3A_78 = arith.constant 0 : i32
      %dma_wait3A_79 = arith.constant 0 : i32
      %dma_wait3A_80 = tpu.memref_slice %arg4[%add3A, %dma_wait3A_78, %dma_wait3A_79] : memref<32x79x128xi32, #tpu.memory_space<hbm>> -> memref<1x79x128xi32, #tpu.memory_space<hbm>>
      %dma_wait3A_81 = tpu.memref_squeeze %dma_wait3A_80 : memref<1x79x128xi32, #tpu.memory_space<hbm>> -> memref<79x128xi32, #tpu.memory_space<hbm>>
      tpu.wait_dma2 semaphore(%run_scoped3A : memref<!tpu.dma_semaphore, #tpu.memory_space<semaphore_mem>>) src(%dma_wait3A_81 : memref<79x128xi32, #tpu.memory_space<hbm>>) dst(%arg7 : memref<79x128xi32, #tpu.memory_space<vmem>>)
      tpu.yield
    }) : () -> ()
    %barrier3A = arith.constant 0 : index
    tpu.barrier barrier_id(%barrier3A)
    %dma_start3A = arith.constant 0 : i32
    %dma_start3A_9 = arith.constant 0 : i32
    %dma_start3A_10 = arith.constant 0 : i32
    %dma_start3A_11 = arith.constant 0 : i32
    %dma_start3A_12 = tpu.memref_slice %arg8[%dma_start3A_9, %dma_start3A_10, %dma_start3A_11] : memref<4x128x32xf32, #tpu.memory_space<vmem>> -> memref<1x128x32xf32, #tpu.memory_space<vmem>>
    %dma_start3A_13 = tpu.memref_squeeze %dma_start3A_12 : memref<1x128x32xf32, #tpu.memory_space<vmem>> -> memref<128x32xf32, #tpu.memory_space<vmem>>
    %dma_start3A_14 = arith.constant 0 : i32
    %dma_start3A_15 = tpu.memref_slice %arg6[%dma_start3A, %dma_start3A_14] : memref<79x128xi32, #tpu.memory_space<vmem>> -> memref<1x128xi32, #tpu.memory_space<vmem>>
    %dma_start3A_16 = tpu.memref_squeeze %dma_start3A_15 : memref<1x128xi32, #tpu.memory_space<vmem>> -> memref<128xi32, #tpu.memory_space<vmem>>
    %dma_start3A_17 = arith.constant 0 : i32
    %dma_start3A_18 = arith.constant 0 : i32
    %dma_start3A_19 = tpu.memref_slice %arg2[%dma_start3A_17, %dma_start3A_18] : memref<10240x32xf32, #tpu.memory_space<hbm>> -> memref<10240x32xf32, #tpu.memory_space<hbm>>
    tpu.enqueue_indirect_dma source(%dma_start3A_19 : memref<10240x32xf32, #tpu.memory_space<hbm>>) target(%dma_start3A_13 : memref<128x32xf32, #tpu.memory_space<vmem>>) offsets(%dma_start3A_16 : memref<128xi32, #tpu.memory_space<vmem>>) semaphore(%arg11 : memref<!tpu.dma_semaphore, #tpu.memory_space<semaphore_mem>>)
    %dma_start3A_20 = arith.constant 1 : i32
    %dma_start3A_21 = arith.constant 1 : i32
    %dma_start3A_22 = arith.constant 0 : i32
    %dma_start3A_23 = arith.constant 0 : i32
    %dma_start3A_24 = tpu.memref_slice %arg8[%dma_start3A_21, %dma_start3A_22, %dma_start3A_23] : memref<4x128x32xf32, #tpu.memory_space<vmem>> -> memref<1x128x32xf32, #tpu.memory_space<vmem>>
    %dma_start3A_25 = tpu.memref_squeeze %dma_start3A_24 : memref<1x128x32xf32, #tpu.memory_space<vmem>> -> memref<128x32xf32, #tpu.memory_space<vmem>>
    %dma_start3A_26 = arith.constant 0 : i32
    %dma_start3A_27 = tpu.memref_slice %arg6[%dma_start3A_20, %dma_start3A_26] : memref<79x128xi32, #tpu.memory_space<vmem>> -> memref<1x128xi32, #tpu.memory_space<vmem>>
    %dma_start3A_28 = tpu.memref_squeeze %dma_start3A_27 : memref<1x128xi32, #tpu.memory_space<vmem>> -> memref<128xi32, #tpu.memory_space<vmem>>
    %dma_start3A_29 = arith.constant 0 : i32
    %dma_start3A_30 = arith.constant 0 : i32
    %dma_start3A_31 = tpu.memref_slice %arg2[%dma_start3A_29, %dma_start3A_30] : memref<10240x32xf32, #tpu.memory_space<hbm>> -> memref<10240x32xf32, #tpu.memory_space<hbm>>
    tpu.enqueue_indirect_dma source(%dma_start3A_31 : memref<10240x32xf32, #tpu.memory_space<hbm>>) target(%dma_start3A_25 : memref<128x32xf32, #tpu.memory_space<vmem>>) offsets(%dma_start3A_28 : memref<128xi32, #tpu.memory_space<vmem>>) semaphore(%arg11 : memref<!tpu.dma_semaphore, #tpu.memory_space<semaphore_mem>>)
    %scan3A_32 = arith.constant 0 : i32
    %scan3A_33 = arith.constant 0 : i32
    %scan3A_34 = arith.constant 79 : i32
    %scan3A_35 = arith.addi %scan3A_33, %scan3A_34 : i32
    %scan3A_36 = arith.constant 1 : i32
    scf.for %scan3A_66 = %scan3A_33 to %scan3A_35 step %scan3A_36  : i32 {
      %and3A = arith.constant 3 : i32
      %and3A_67 = arith.andi %scan3A_66, %and3A : i32
      %dma_wait3A_68 = arith.constant 0 : i32
      %dma_wait3A_69 = arith.constant 0 : i32
      %dma_wait3A_70 = tpu.memref_slice %arg8[%and3A_67, %dma_wait3A_68, %dma_wait3A_69] : memref<4x128x32xf32, #tpu.memory_space<vmem>> -> memref<1x128x32xf32, #tpu.memory_space<vmem>>
      %dma_wait3A_71 = tpu.memref_squeeze %dma_wait3A_70 : memref<1x128x32xf32, #tpu.memory_space<vmem>> -> memref<128x32xf32, #tpu.memory_space<vmem>>
      %dma_wait3A_72 = arith.constant 0 : i32
      %dma_wait3A_73 = tpu.memref_slice %arg6[%scan3A_66, %dma_wait3A_72] : memref<79x128xi32, #tpu.memory_space<vmem>> -> memref<1x128xi32, #tpu.memory_space<vmem>>
      %dma_wait3A_74 = tpu.memref_squeeze %dma_wait3A_73 : memref<1x128xi32, #tpu.memory_space<vmem>> -> memref<128xi32, #tpu.memory_space<vmem>>
      %dma_wait3A_75 = arith.constant 0 : i32
      %dma_wait3A_76 = arith.constant 0 : i32
      %dma_wait3A_77 = tpu.memref_slice %arg2[%dma_wait3A_75, %dma_wait3A_76] : memref<10240x32xf32, #tpu.memory_space<hbm>> -> memref<10240x32xf32, #tpu.memory_space<hbm>>
      tpu.wait_indirect_dma semaphore(%arg11 : memref<!tpu.dma_semaphore, #tpu.memory_space<semaphore_mem>>) src(%dma_wait3A_77 : memref<10240x32xf32, #tpu.memory_space<hbm>>) dst(%dma_wait3A_71 : memref<128x32xf32, #tpu.memory_space<vmem>>)
      %and3A_78 = arith.constant 3 : i32
      %and3A_79 = arith.andi %scan3A_66, %and3A_78 : i32
      %dma_start3A_80 = arith.constant 0 : i32
      %dma_start3A_81 = arith.constant 0 : i32
      %dma_start3A_82 = tpu.memref_slice %arg8[%and3A_79, %dma_start3A_80, %dma_start3A_81] : memref<4x128x32xf32, #tpu.memory_space<vmem>> -> memref<1x128x32xf32, #tpu.memory_space<vmem>>
      %dma_start3A_83 = tpu.memref_squeeze %dma_start3A_82 : memref<1x128x32xf32, #tpu.memory_space<vmem>> -> memref<128x32xf32, #tpu.memory_space<vmem>>
      %dma_start3A_84 = arith.constant 0 : i32
      %dma_start3A_85 = tpu.memref_slice %arg7[%scan3A_66, %dma_start3A_84] : memref<79x128xi32, #tpu.memory_space<vmem>> -> memref<1x128xi32, #tpu.memory_space<vmem>>
      %dma_start3A_86 = tpu.memref_squeeze %dma_start3A_85 : memref<1x128xi32, #tpu.memory_space<vmem>> -> memref<128xi32, #tpu.memory_space<vmem>>
      %dma_start3A_87 = arith.constant 0 : i32
      %dma_start3A_88 = arith.constant 0 : i32
      %dma_start3A_89 = tpu.memref_slice %arg10[%dma_start3A_87, %dma_start3A_88] : memref<10240x32xf32, #tpu.memory_space<vmem_shared>> -> memref<10240x32xf32, #tpu.memory_space<vmem_shared>>
      tpu.enqueue_indirect_dma source(%dma_start3A_83 : memref<128x32xf32, #tpu.memory_space<vmem>>) target(%dma_start3A_89 : memref<10240x32xf32, #tpu.memory_space<vmem_shared>>) offsets(%dma_start3A_86 : memref<128xi32, #tpu.memory_space<vmem>>) semaphore(%arg12 : memref<!tpu.dma_semaphore, #tpu.memory_space<semaphore_mem>>) {add = true}
      %ge3A = arith.constant 2 : i32
      %ge3A_90 = arith.cmpi sge, %scan3A_66, %ge3A : i32
      %convert_element_type3A = arith.extui %ge3A_90 : i1 to i32
      %cond3A = arith.constant 0 : i32
      %cond3A_91 = arith.cmpi ne, %convert_element_type3A, %cond3A : i32
      scf.if %cond3A_91 {
        %sub3A = arith.constant 2 : i32
        %sub3A_98 = arith.subi %scan3A_66, %sub3A : i32
        %and3A_99 = arith.constant 3 : i32
        %and3A_100 = arith.andi %sub3A_98, %and3A_99 : i32
        %dma_wait3A_101 = arith.constant 0 : i32
        %dma_wait3A_102 = arith.constant 0 : i32
        %dma_wait3A_103 = tpu.memref_slice %arg8[%and3A_100, %dma_wait3A_101, %dma_wait3A_102] : memref<4x128x32xf32, #tpu.memory_space<vmem>> -> memref<1x128x32xf32, #tpu.memory_space<vmem>>
        %dma_wait3A_104 = tpu.memref_squeeze %dma_wait3A_103 : memref<1x128x32xf32, #tpu.memory_space<vmem>> -> memref<128x32xf32, #tpu.memory_space<vmem>>
        %dma_wait3A_105 = arith.constant 0 : i32
        %dma_wait3A_106 = tpu.memref_slice %arg7[%scan3A_66, %dma_wait3A_105] : memref<79x128xi32, #tpu.memory_space<vmem>> -> memref<1x128xi32, #tpu.memory_space<vmem>>
        %dma_wait3A_107 = tpu.memref_squeeze %dma_wait3A_106 : memref<1x128xi32, #tpu.memory_space<vmem>> -> memref<128xi32, #tpu.memory_space<vmem>>
        %dma_wait3A_108 = arith.constant 0 : i32
        %dma_wait3A_109 = arith.constant 0 : i32
        %dma_wait3A_110 = tpu.memref_slice %arg10[%dma_wait3A_108, %dma_wait3A_109] : memref<10240x32xf32, #tpu.memory_space<vmem_shared>> -> memref<10240x32xf32, #tpu.memory_space<vmem_shared>>
        tpu.wait_indirect_dma semaphore(%arg12 : memref<!tpu.dma_semaphore, #tpu.memory_space<semaphore_mem>>) src(%dma_wait3A_104 : memref<128x32xf32, #tpu.memory_space<vmem>>) dst(%dma_wait3A_110 : memref<10240x32xf32, #tpu.memory_space<vmem_shared>>)
      } else {
      }
      %add3A_92 = arith.constant 2 : i32
      %add3A_93 = arith.addi %scan3A_66, %add3A_92 : i32
      %lt3A = arith.constant 79 : i32
      %lt3A_94 = arith.cmpi slt, %add3A_93, %lt3A : i32
      %convert_element_type3A_95 = arith.extui %lt3A_94 : i1 to i32
      %cond3A_96 = arith.constant 0 : i32
      %cond3A_97 = arith.cmpi ne, %convert_element_type3A_95, %cond3A_96 : i32
      scf.if %cond3A_97 {
        %and3A_98 = arith.constant 3 : i32
        %and3A_99 = arith.andi %add3A_93, %and3A_98 : i32
        %dma_start3A_100 = arith.constant 0 : i32
        %dma_start3A_101 = arith.constant 0 : i32
        %dma_start3A_102 = tpu.memref_slice %arg8[%and3A_99, %dma_start3A_100, %dma_start3A_101] : memref<4x128x32xf32, #tpu.memory_space<vmem>> -> memref<1x128x32xf32, #tpu.memory_space<vmem>>
        %dma_start3A_103 = tpu.memref_squeeze %dma_start3A_102 : memref<1x128x32xf32, #tpu.memory_space<vmem>> -> memref<128x32xf32, #tpu.memory_space<vmem>>
        %dma_start3A_104 = arith.constant 0 : i32
        %dma_start3A_105 = tpu.memref_slice %arg6[%add3A_93, %dma_start3A_104] : memref<79x128xi32, #tpu.memory_space<vmem>> -> memref<1x128xi32, #tpu.memory_space<vmem>>
        %dma_start3A_106 = tpu.memref_squeeze %dma_start3A_105 : memref<1x128xi32, #tpu.memory_space<vmem>> -> memref<128xi32, #tpu.memory_space<vmem>>
        %dma_start3A_107 = arith.constant 0 : i32
        %dma_start3A_108 = arith.constant 0 : i32
        %dma_start3A_109 = tpu.memref_slice %arg2[%dma_start3A_107, %dma_start3A_108] : memref<10240x32xf32, #tpu.memory_space<hbm>> -> memref<10240x32xf32, #tpu.memory_space<hbm>>
        tpu.enqueue_indirect_dma source(%dma_start3A_109 : memref<10240x32xf32, #tpu.memory_space<hbm>>) target(%dma_start3A_103 : memref<128x32xf32, #tpu.memory_space<vmem>>) offsets(%dma_start3A_106 : memref<128xi32, #tpu.memory_space<vmem>>) semaphore(%arg11 : memref<!tpu.dma_semaphore, #tpu.memory_space<semaphore_mem>>)
      } else {
      }
    }
    %scan3A_37 = arith.constant 79 : i32
    %dma_wait3A = arith.constant 0 : i32
    %dma_wait3A_38 = arith.constant 0 : i32
    %dma_wait3A_39 = arith.constant 0 : i32
    %dma_wait3A_40 = arith.constant 0 : i32
    %dma_wait3A_41 = tpu.memref_slice %arg8[%dma_wait3A, %dma_wait3A_39, %dma_wait3A_40] : memref<4x128x32xf32, #tpu.memory_space<vmem>> -> memref<1x128x32xf32, #tpu.memory_space<vmem>>
    %dma_wait3A_42 = tpu.memref_squeeze %dma_wait3A_41 : memref<1x128x32xf32, #tpu.memory_space<vmem>> -> memref<128x32xf32, #tpu.memory_space<vmem>>
    %dma_wait3A_43 = arith.constant 0 : i32
    %dma_wait3A_44 = tpu.memref_slice %arg7[%dma_wait3A_38, %dma_wait3A_43] : memref<79x128xi32, #tpu.memory_space<vmem>> -> memref<1x128xi32, #tpu.memory_space<vmem>>
    %dma_wait3A_45 = tpu.memref_squeeze %dma_wait3A_44 : memref<1x128xi32, #tpu.memory_space<vmem>> -> memref<128xi32, #tpu.memory_space<vmem>>
    %dma_wait3A_46 = arith.constant 0 : i32
    %dma_wait3A_47 = arith.constant 0 : i32
    %dma_wait3A_48 = tpu.memref_slice %arg10[%dma_wait3A_46, %dma_wait3A_47] : memref<10240x32xf32, #tpu.memory_space<vmem_shared>> -> memref<10240x32xf32, #tpu.memory_space<vmem_shared>>
    tpu.wait_indirect_dma semaphore(%arg12 : memref<!tpu.dma_semaphore, #tpu.memory_space<semaphore_mem>>) src(%dma_wait3A_42 : memref<128x32xf32, #tpu.memory_space<vmem>>) dst(%dma_wait3A_48 : memref<10240x32xf32, #tpu.memory_space<vmem_shared>>)
    %dma_wait3A_49 = arith.constant 1 : i32
    %dma_wait3A_50 = arith.constant 1 : i32
    %dma_wait3A_51 = arith.constant 0 : i32
    %dma_wait3A_52 = arith.constant 0 : i32
    %dma_wait3A_53 = tpu.memref_slice %arg8[%dma_wait3A_49, %dma_wait3A_51, %dma_wait3A_52] : memref<4x128x32xf32, #tpu.memory_space<vmem>> -> memref<1x128x32xf32, #tpu.memory_space<vmem>>
    %dma_wait3A_54 = tpu.memref_squeeze %dma_wait3A_53 : memref<1x128x32xf32, #tpu.memory_space<vmem>> -> memref<128x32xf32, #tpu.memory_space<vmem>>
    %dma_wait3A_55 = arith.constant 0 : i32
    %dma_wait3A_56 = tpu.memref_slice %arg7[%dma_wait3A_50, %dma_wait3A_55] : memref<79x128xi32, #tpu.memory_space<vmem>> -> memref<1x128xi32, #tpu.memory_space<vmem>>
    %dma_wait3A_57 = tpu.memref_squeeze %dma_wait3A_56 : memref<1x128xi32, #tpu.memory_space<vmem>> -> memref<128xi32, #tpu.memory_space<vmem>>
    %dma_wait3A_58 = arith.constant 0 : i32
    %dma_wait3A_59 = arith.constant 0 : i32
    %dma_wait3A_60 = tpu.memref_slice %arg10[%dma_wait3A_58, %dma_wait3A_59] : memref<10240x32xf32, #tpu.memory_space<vmem_shared>> -> memref<10240x32xf32, #tpu.memory_space<vmem_shared>>
    tpu.wait_indirect_dma semaphore(%arg12 : memref<!tpu.dma_semaphore, #tpu.memory_space<semaphore_mem>>) src(%dma_wait3A_54 : memref<128x32xf32, #tpu.memory_space<vmem>>) dst(%dma_wait3A_60 : memref<10240x32xf32, #tpu.memory_space<vmem_shared>>)
    %barrier3A_61 = arith.constant 0 : index
    tpu.barrier barrier_id(%barrier3A_61)
    %mul3A_62 = arith.constant 640 : i32
    %mul3A_63 = arith.muli %arg1, %mul3A_62 : i32
    %mul3A_64 = arith.constant 640 : i32
    %mul3A_65 = arith.muli %arg1, %mul3A_64 : i32
    "tpu.region"() ({
      %run_scoped3A = tpu.sem_alloc : memref<!tpu.dma_semaphore, #tpu.memory_space<semaphore_mem>>
      %dma_start3A_66 = arith.constant 0 : i32
      %dma_start3A_67 = tpu.memref_slice %arg5[%arg0, %mul3A_65, %dma_start3A_66] : memref<2x10240x32xf32, #tpu.memory_space<hbm>> -> memref<1x640x32xf32, #tpu.memory_space<hbm>>
      %dma_start3A_68 = tpu.memref_squeeze %dma_start3A_67 : memref<1x640x32xf32, #tpu.memory_space<hbm>> -> memref<640x32xf32, #tpu.memory_space<hbm>>
      %dma_start3A_69 = arith.constant 0 : i32
      %dma_start3A_70 = tpu.memref_slice %arg10[%mul3A_63, %dma_start3A_69] : memref<10240x32xf32, #tpu.memory_space<vmem_shared>> -> memref<640x32xf32, #tpu.memory_space<vmem_shared>>
      tpu.enqueue_dma source(%dma_start3A_70 : memref<640x32xf32, #tpu.memory_space<vmem_shared>>) target(%dma_start3A_68 : memref<640x32xf32, #tpu.memory_space<hbm>>) target_semaphore(%run_scoped3A : memref<!tpu.dma_semaphore, #tpu.memory_space<semaphore_mem>>)
      %dma_wait3A_71 = arith.constant 0 : i32
      %dma_wait3A_72 = tpu.memref_slice %arg5[%arg0, %mul3A_65, %dma_wait3A_71] : memref<2x10240x32xf32, #tpu.memory_space<hbm>> -> memref<1x640x32xf32, #tpu.memory_space<hbm>>
      %dma_wait3A_73 = tpu.memref_squeeze %dma_wait3A_72 : memref<1x640x32xf32, #tpu.memory_space<hbm>> -> memref<640x32xf32, #tpu.memory_space<hbm>>
      %dma_wait3A_74 = arith.constant 0 : i32
      %dma_wait3A_75 = tpu.memref_slice %arg10[%mul3A_63, %dma_wait3A_74] : memref<10240x32xf32, #tpu.memory_space<vmem_shared>> -> memref<640x32xf32, #tpu.memory_space<vmem_shared>>
      tpu.wait_dma2 semaphore(%run_scoped3A : memref<!tpu.dma_semaphore, #tpu.memory_space<semaphore_mem>>) src(%dma_wait3A_75 : memref<640x32xf32, #tpu.memory_space<vmem_shared>>) dst(%dma_wait3A_73 : memref<640x32xf32, #tpu.memory_space<hbm>>)
      tpu.yield
    }) : () -> ()
    return
  }
}

module attributes {stable_mosaic.version = 14 : i64} {
  func.func @_tc1_body(%arg0: memref<10240x128xf32, #tpu.memory_space<vmem>>, %arg1: memref<128x32xf32, #tpu.memory_space<vmem>>, %arg2: memref<10240x2xf32, #tpu.memory_space<vmem>>, %arg3: memref<10240x32xf32, #tpu.memory_space<vmem>>, %arg4: memref<10240x1xf32, #tpu.memory_space<vmem>>) attributes {dimension_semantics = [], scalar_prefetch = 0 : i64, scratch_operands = 0 : i64, tpu.core_type = #tpu.core_type<tc>} {
    %get3A = arith.constant 0 : index
    %get3A_0 = arith.constant 0 : index
    %get3A_1 = vector.load %arg2[%get3A, %get3A_0] : memref<10240x2xf32, #tpu.memory_space<vmem>>, vector<10240x1xf32>
    %get3A_2 = arith.constant 0 : index
    %get3A_3 = arith.constant 1 : index
    %get3A_4 = vector.load %arg2[%get3A_2, %get3A_3] : memref<10240x2xf32, #tpu.memory_space<vmem>>, vector<10240x1xf32>
    %add3A = arith.addf %get3A_1, %get3A_4 : vector<10240x1xf32>
    %add3A_5 = arith.constant 1.000000e+00 : f32
    %add3A_6 = vector.broadcast %add3A_5 : f32 to vector<10240x1xf32>
    %add3A_7 = arith.addf %add3A, %add3A_6 : vector<10240x1xf32>
    %rsqrt3A = math.rsqrt %add3A_7 : vector<10240x1xf32>
    %swap3A = arith.constant 0 : index
    %swap3A_8 = arith.constant 0 : index
    %swap3A_9 = vector.load %arg4[%swap3A, %swap3A_8] : memref<10240x1xf32, #tpu.memory_space<vmem>>, vector<10240x1xf32>
    tpu.vector_store %arg4[%swap3A, %swap3A_8], %rsqrt3A {strides = array<i32>} : memref<10240x1xf32, #tpu.memory_space<vmem>>, vector<10240x1xf32>,
    %get3A_10 = arith.constant 0 : index
    %get3A_11 = arith.constant 0 : index
    %get3A_12 = vector.load %arg0[%get3A_10, %get3A_11] : memref<10240x128xf32, #tpu.memory_space<vmem>>, vector<10240x128xf32>
    %get3A_13 = arith.constant 0 : index
    %get3A_14 = arith.constant 0 : index
    %get3A_15 = vector.load %arg1[%get3A_13, %get3A_14] : memref<128x32xf32, #tpu.memory_space<vmem>>, vector<128x32xf32>
    %dot_general3A = arith.constant dense<0.000000e+00> : vector<10240x32xf32>
    %dot_general3A_16 = tpu.matmul %get3A_12, %get3A_15, %dot_general3A {dimension_numbers = #tpu.dot_dimension_numbers<[1], [0], [0], [1], [0, 0, 1, 1], [], []>, transpose_lhs_hint = false} : vector<10240x128xf32>, vector<128x32xf32>, vector<10240x32xf32> -> vector<10240x32xf32>
    %mul3A = vector.broadcast %rsqrt3A : vector<10240x1xf32> to vector<10240x32xf32>
    %mul3A_17 = arith.mulf %dot_general3A_16, %mul3A : vector<10240x32xf32>
    %swap3A_18 = arith.constant 0 : index
    %swap3A_19 = arith.constant 0 : index
    %swap3A_20 = vector.load %arg3[%swap3A_18, %swap3A_19] : memref<10240x32xf32, #tpu.memory_space<vmem>>, vector<10240x32xf32>
    tpu.vector_store %arg3[%swap3A_18, %swap3A_19], %mul3A_17 {strides = array<i32>} : memref<10240x32xf32, #tpu.memory_space<vmem>>, vector<10240x32xf32>,
    return
  }
}

module attributes {stable_mosaic.version = 14 : i64} {
  func.func @_tc2_body(%arg0: memref<2x10240x32xf32, #tpu.memory_space<vmem>>, %arg1: memref<10240x32xf32, #tpu.memory_space<vmem>>, %arg2: memref<10240x1xf32, #tpu.memory_space<vmem>>, %arg3: memref<1x32xf32, #tpu.memory_space<vmem>>, %arg4: memref<32x32xf32, #tpu.memory_space<vmem>>, %arg5: memref<10240x32xf32, #tpu.memory_space<vmem>>) attributes {dimension_semantics = [], scalar_prefetch = 0 : i64, scratch_operands = 0 : i64, tpu.core_type = #tpu.core_type<tc>} {
    %get3A = arith.constant 0 : index
    %get3A_0 = arith.constant 0 : index
    %get3A_1 = arith.constant 0 : index
    %get3A_2 = vector.load %arg0[%get3A, %get3A_0, %get3A_1] : memref<2x10240x32xf32, #tpu.memory_space<vmem>>, vector<1x10240x32xf32>
    %get3A_3 = vector.shape_cast %get3A_2 : vector<1x10240x32xf32> to vector<10240x32xf32>
    %get3A_4 = arith.constant 1 : index
    %get3A_5 = arith.constant 0 : index
    %get3A_6 = arith.constant 0 : index
    %get3A_7 = vector.load %arg0[%get3A_4, %get3A_5, %get3A_6] : memref<2x10240x32xf32, #tpu.memory_space<vmem>>, vector<1x10240x32xf32>
    %get3A_8 = vector.shape_cast %get3A_7 : vector<1x10240x32xf32> to vector<10240x32xf32>
    %add3A = arith.addf %get3A_3, %get3A_8 : vector<10240x32xf32>
    %get3A_9 = arith.constant 0 : index
    %get3A_10 = arith.constant 0 : index
    %get3A_11 = vector.load %arg1[%get3A_9, %get3A_10] : memref<10240x32xf32, #tpu.memory_space<vmem>>, vector<10240x32xf32>
    %add3A_12 = arith.addf %add3A, %get3A_11 : vector<10240x32xf32>
    %get3A_13 = arith.constant 0 : index
    %get3A_14 = arith.constant 0 : index
    %get3A_15 = vector.load %arg2[%get3A_13, %get3A_14] : memref<10240x1xf32, #tpu.memory_space<vmem>>, vector<10240x1xf32>
    %mul3A = vector.broadcast %get3A_15 : vector<10240x1xf32> to vector<10240x32xf32>
    %mul3A_16 = arith.mulf %mul3A, %add3A_12 : vector<10240x32xf32>
    %get3A_17 = arith.constant 0 : index
    %get3A_18 = arith.constant 0 : index
    %get3A_19 = vector.load %arg3[%get3A_17, %get3A_18] : memref<1x32xf32, #tpu.memory_space<vmem>>, vector<1x32xf32>
    %add3A_20 = vector.broadcast %get3A_19 : vector<1x32xf32> to vector<10240x32xf32>
    %add3A_21 = arith.addf %mul3A_16, %add3A_20 : vector<10240x32xf32>
    %max3A = arith.constant 0.000000e+00 : f32
    %max3A_22 = vector.broadcast %max3A : f32 to vector<10240x32xf32>
    %max3A_23 = arith.maximumf %add3A_21, %max3A_22 : vector<10240x32xf32>
    %get3A_24 = arith.constant 0 : index
    %get3A_25 = arith.constant 0 : index
    %get3A_26 = vector.load %arg4[%get3A_24, %get3A_25] : memref<32x32xf32, #tpu.memory_space<vmem>>, vector<32x32xf32>
    %dot_general3A = arith.constant dense<0.000000e+00> : vector<10240x32xf32>
    %dot_general3A_27 = tpu.matmul %max3A_23, %get3A_26, %dot_general3A {dimension_numbers = #tpu.dot_dimension_numbers<[1], [0], [0], [1], [0, 0, 1, 1], [], []>, transpose_lhs_hint = false} : vector<10240x32xf32>, vector<32x32xf32>, vector<10240x32xf32> -> vector<10240x32xf32>
    %get3A_28 = arith.constant 0 : index
    %get3A_29 = arith.constant 0 : index
    %get3A_30 = vector.load %arg2[%get3A_28, %get3A_29] : memref<10240x1xf32, #tpu.memory_space<vmem>>, vector<10240x1xf32>
    %mul3A_31 = vector.broadcast %get3A_30 : vector<10240x1xf32> to vector<10240x32xf32>
    %mul3A_32 = arith.mulf %dot_general3A_27, %mul3A_31 : vector<10240x32xf32>
    %swap3A = arith.constant 0 : index
    %swap3A_33 = arith.constant 0 : index
    %swap3A_34 = vector.load %arg5[%swap3A, %swap3A_33] : memref<10240x32xf32, #tpu.memory_space<vmem>>, vector<10240x32xf32>
    tpu.vector_store %arg5[%swap3A, %swap3A_33], %mul3A_32 {strides = array<i32>} : memref<10240x32xf32, #tpu.memory_space<vmem>>, vector<10240x32xf32>,
    return
  }
}

module attributes {stable_mosaic.version = 14 : i64} {
  func.func @_tc3_body(%arg0: memref<2x10240x32xf32, #tpu.memory_space<vmem>>, %arg1: memref<10240x32xf32, #tpu.memory_space<vmem>>, %arg2: memref<10240x1xf32, #tpu.memory_space<vmem>>, %arg3: memref<1x32xf32, #tpu.memory_space<vmem>>, %arg4: memref<1x10240xi32, #tpu.memory_space<vmem>>, %arg5: memref<32x1xf32, #tpu.memory_space<vmem>>, %arg6: memref<1x1xf32, #tpu.memory_space<vmem>>, %arg7: memref<64x1xf32, #tpu.memory_space<vmem>>) attributes {dimension_semantics = [], scalar_prefetch = 0 : i64, scratch_operands = 0 : i64, tpu.core_type = #tpu.core_type<tc>} {
    %get3A = arith.constant 0 : index
    %get3A_0 = arith.constant 0 : index
    %get3A_1 = arith.constant 0 : index
    %get3A_2 = vector.load %arg0[%get3A, %get3A_0, %get3A_1] : memref<2x10240x32xf32, #tpu.memory_space<vmem>>, vector<1x10240x32xf32>
    %get3A_3 = vector.shape_cast %get3A_2 : vector<1x10240x32xf32> to vector<10240x32xf32>
    %get3A_4 = arith.constant 1 : index
    %get3A_5 = arith.constant 0 : index
    %get3A_6 = arith.constant 0 : index
    %get3A_7 = vector.load %arg0[%get3A_4, %get3A_5, %get3A_6] : memref<2x10240x32xf32, #tpu.memory_space<vmem>>, vector<1x10240x32xf32>
    %get3A_8 = vector.shape_cast %get3A_7 : vector<1x10240x32xf32> to vector<10240x32xf32>
    %add3A = arith.addf %get3A_3, %get3A_8 : vector<10240x32xf32>
    %get3A_9 = arith.constant 0 : index
    %get3A_10 = arith.constant 0 : index
    %get3A_11 = vector.load %arg1[%get3A_9, %get3A_10] : memref<10240x32xf32, #tpu.memory_space<vmem>>, vector<10240x32xf32>
    %add3A_12 = arith.addf %add3A, %get3A_11 : vector<10240x32xf32>
    %get3A_13 = arith.constant 0 : index
    %get3A_14 = arith.constant 0 : index
    %get3A_15 = vector.load %arg2[%get3A_13, %get3A_14] : memref<10240x1xf32, #tpu.memory_space<vmem>>, vector<10240x1xf32>
    %mul3A = vector.broadcast %get3A_15 : vector<10240x1xf32> to vector<10240x32xf32>
    %mul3A_16 = arith.mulf %mul3A, %add3A_12 : vector<10240x32xf32>
    %get3A_17 = arith.constant 0 : index
    %get3A_18 = arith.constant 0 : index
    %get3A_19 = vector.load %arg3[%get3A_17, %get3A_18] : memref<1x32xf32, #tpu.memory_space<vmem>>, vector<1x32xf32>
    %add3A_20 = vector.broadcast %get3A_19 : vector<1x32xf32> to vector<10240x32xf32>
    %add3A_21 = arith.addf %mul3A_16, %add3A_20 : vector<10240x32xf32>
    %max3A = arith.constant 0.000000e+00 : f32
    %max3A_22 = vector.broadcast %max3A : f32 to vector<10240x32xf32>
    %max3A_23 = arith.maximumf %add3A_21, %max3A_22 : vector<10240x32xf32>
    %iota3A = tpu.iota {dimensions = array<i32: 0>} : vector<64x10240xi32>
    %get3A_24 = arith.constant 0 : index
    %get3A_25 = arith.constant 0 : index
    %get3A_26 = vector.load %arg4[%get3A_24, %get3A_25] : memref<1x10240xi32, #tpu.memory_space<vmem>>, vector<1x10240xi32>
    %eq3A = vector.broadcast %get3A_26 : vector<1x10240xi32> to vector<64x10240xi32>
    %eq3A_27 = arith.cmpi eq, %eq3A, %iota3A : vector<64x10240xi32>
    %convert_element_type3A = arith.extui %eq3A_27 : vector<64x10240xi1> to vector<64x10240xi32>
    %convert_element_type3A_28 = arith.sitofp %convert_element_type3A : vector<64x10240xi32> to vector<64x10240xf32>
    %dot_general3A = arith.constant dense<0.000000e+00> : vector<64x32xf32>
    %dot_general3A_29 = tpu.matmul %convert_element_type3A_28, %max3A_23, %dot_general3A {dimension_numbers = #tpu.dot_dimension_numbers<[1], [0], [0], [1], [0, 0, 1, 1], [], []>, transpose_lhs_hint = false} : vector<64x10240xf32>, vector<10240x32xf32>, vector<64x32xf32> -> vector<64x32xf32>
    %reduce_sum3A = arith.constant dense<0.000000e+00> : vector<64xf32>
    %reduce_sum3A_30 = vector.multi_reduction <add>, %convert_element_type3A_28, %reduce_sum3A [1] : vector<64x10240xf32> to vector<64xf32>
    %broadcast_in_dim3A = vector.shape_cast %reduce_sum3A_30 : vector<64xf32> to vector<64x1xf32>
    %max3A_31 = arith.constant 1.000000e+00 : f32
    %max3A_32 = vector.broadcast %max3A_31 : f32 to vector<64x1xf32>
    %max3A_33 = arith.maximumf %broadcast_in_dim3A, %max3A_32 : vector<64x1xf32>
    %div3A = vector.broadcast %max3A_33 : vector<64x1xf32> to vector<64x32xf32>
    %div3A_34 = arith.divf %dot_general3A_29, %div3A : vector<64x32xf32>
    %get3A_35 = arith.constant 0 : index
    %get3A_36 = arith.constant 0 : index
    %get3A_37 = vector.load %arg5[%get3A_35, %get3A_36] : memref<32x1xf32, #tpu.memory_space<vmem>>, vector<32x1xf32>
    %dot_general3A_38 = arith.constant dense<0.000000e+00> : vector<64x1xf32>
    %dot_general3A_39 = tpu.matmul %div3A_34, %get3A_37, %dot_general3A_38 {dimension_numbers = #tpu.dot_dimension_numbers<[1], [0], [0], [1], [0, 0, 1, 1], [], []>, transpose_lhs_hint = false} : vector<64x32xf32>, vector<32x1xf32>, vector<64x1xf32> -> vector<64x1xf32>
    %get3A_40 = arith.constant 0 : index
    %get3A_41 = arith.constant 0 : index
    %get3A_42 = vector.load %arg6[%get3A_40, %get3A_41] : memref<1x1xf32, #tpu.memory_space<vmem>>, vector<1x1xf32>
    %add3A_43 = vector.broadcast %get3A_42 : vector<1x1xf32> to vector<64x1xf32>
    %add3A_44 = arith.addf %dot_general3A_39, %add3A_43 : vector<64x1xf32>
    %swap3A = arith.constant 0 : index
    %swap3A_45 = arith.constant 0 : index
    %swap3A_46 = vector.load %arg7[%swap3A, %swap3A_45] : memref<64x1xf32, #tpu.memory_space<vmem>>, vector<64x1xf32>
    tpu.vector_store %arg7[%swap3A, %swap3A_45], %add3A_44 {strides = array<i32>} : memref<64x1xf32, #tpu.memory_space<vmem>>, vector<64x1xf32>,
    return
  }
}

</mosaic_0001>

<sc_bundles>
// kernel: kernel.11.cloned.1.call-start
scs
__scs_entry_jumppad:
0x0: {  	(pc) =	sbr.rel $0x88, $3  }
0x1: {  	(tag) =	ssettag $0x0;
	lr =	simm.s32 $0x1  }
0x2: {  	[smem:$0x3F98] =	sst lr;
	_ =	strace $0xD0000000  }
0x3: {  	_ = 	snop  }
0x4: {  	_ = 	snop  }
0x5: {  	_ = 	snop  }
0x6: {  	_ = 	snop  }
0x7: {  	_ = 	snop  }
__scs_overlays_trampoline_lowered:
0x8: {  	[smem:$0x3FA7] =	sst s0  }
0x9: {  	[smem:$0x3FA8] =	sst s1  }
0xa: {  	[smem:$0x3FA9] =	sst s2  }
0xb: {  	[smem:$0x3FAA] =	sst s3  }
0xc: {  	[smem:$0x3FAB] =	sst s4  }
0xd: {  	[smem:$0x3FAC] =	sst s5  }
0xe: {  	[smem:$0x3FAD] =	sst s6  }
0xf: {  	[smem:$0x3FAE] =	sst s7  }
0x10: {  	[smem:$0x3FAF] =	sst s8  }
0x11: {  	[smem:$0x3FB0] =	sst s9;
	s0 =	simm.s32 @!p0 $0x0  }
0x12: {  	s1 =	sld [smem:$0x3F96];
	s0 =	simm.s32 @p0 $0x1  }
0x13: {  	[smem:$0x3FB1] =	sst s0;
	s0 =	simm.s32 @!p1 $0x0  }
0x14: {  	s2 =	sld [smem:$0x3F95];
	s0 =	simm.s32 @p1 $0x1  }
0x15: {  	[smem:$0x3FB2] =	sst s0;
	s0 =	simm.s32 @!p2 $0x0  }
0x16: {  	s3 =	sld [smem:$0x3FDB];
	s0 =	simm.s32 @p2 $0x1  }
0x17: {  	s4 =	simm.s32 $0x1BF5;
	[smem:$0x3FB4] =	sst s0  }
0x18: {  	s0 =	sld [smem:$0x3F97];
	_ =	swait.ge [sflag:s4], $0x0  }
0x19: {  	s7 =	sld [smem:$0x3F98]  }
0x1a: {  	s8 =	sadd.s32 $0xFFFFE003, lr  }
0x1b: {  	s9 =	sadd.s32 $0xFFFFFEF7, lr;
	s5 =	simm.s32 $0xFFFFFFFF;
	p2 =	slt.u32 s8, $0xFFFFF086  }
0x1c: {  	p1 =	slt.u32 s9, $0xF7A;
	s5 =	simm.s32 @!p2 $0x0  }
0x1d: {  	s5 =	simm.s32 @p1 $0x1;
	p0 =	seq.s32 s7, s2  }
0x1e: {  	s7 =	smul.u32 @!p0 $0xF7A, s2;
	p2 =	seq.s32 @!p0 s5, $0x0  }
0x1f: {  	s9 =	smul.u32 $0xF7A, s1;
	s8 =	simm.s32 @!p0 $0x1BF5;
	p2 =	por !p2, p0  }
0x20: {  	[sflag:s8] =	ssyncset.s32 @!p0 $0xFFFFF086;
	s6 =	sadd.s32 @!p0 s3, s7;
	s7 =	simm.s32 @!p0 $0x108  }
0x21: {  	s3 =	sadd.s32 s3, s9;
	s6 =	sadd.s32 @!p0 $0x88, s6;
	s7 =	simm.s32 @p2 $0x1082  }
0x22: {  	[simem:s7], [sflag:s8] =	dma.local @!p0 [hbm:s6], $0xF7A  }
0x23: {  	s9 =	sor.u32 $0xD0000000, s2;
	s6 =	simm.s32 $0x108;
	_ =	swait.ge @!p0 [sflag:s8], $0x0  }
0x24: {  	s3 =	sadd.s32 $0x88, s3;
	s6 =	simm.s32 @!p1 $0x1082;
	[sflag:s4] =	ssyncset.s32 $0xFFFFF086  }
0x25: {  	[simem:s6], [sflag:s4] =	dma.local [hbm:s3], $0xF7A  }
0x26: {  	[smem:$0x3F98] =	sst s1;
	(tag) =	ssettag s2;
	_ =	strace s9  }
0x27: {  	s1 =	sld [smem:$0x3FA8]  }
0x28: {  	s2 =	sld [smem:$0x3FA9]  }
0x29: {  	s4 =	sld [smem:$0x3FAB]  }
0x2a: {  	p0 =	seq.s32 s5, $0x0;
	s5 =	sld [smem:$0x3FAC]  }
0x2b: {  	s6 =	sld [smem:$0x3FAD]  }
0x2c: {  	s7 =	sld [smem:$0x3FAE]  }
0x2d: {  	s3 =	simm.s32 $0x108;
	s8 =	sld [smem:$0x3FAF]  }
0x2e: {  	s3 =	simm.s32 @!p0 $0x1082;
	s9 =	sld [smem:$0x3FB0]  }
0x2f: {  	lr =	sadd.s32 s0, s3;
	s0 =	sld [smem:$0x3FA7]  }
0x30: {  	s3 =	sld [smem:$0x3FAA]  }
0x31: {  	[smem:$0x3FB3] =	sst s10  }
0x32: {  	s10 =	sld [smem:$0x3FB1];
	_ =	sdelay $0x3  }
0x33: {  	p0 =	seq.s32 s10, $0x1;
	s10 =	sld [smem:$0x3FB3];
	_ =	sdelay $0x3  }
0x34: {  	[smem:$0x3FB3] =	sst s10  }
0x35: {  	s10 =	sld [smem:$0x3FB2];
	_ =	sdelay $0x3  }
0x36: {  	p1 =	seq.s32 s10, $0x1;
	s10 =	sld [smem:$0x3FB3];
	_ =	sdelay $0x3  }
0x37: {  	[smem:$0x3FB3] =	sst s10  }
0x38: {  	s10 =	sld [smem:$0x3FB4]  }
0x39: {  	_ = 	snop;
	(pc) =	sbr.ind lr, $3  }
0x3a: {  	_ = 	snop  }
0x3b: {  	_ = 	snop  }
0x3c: {  	p2 =	seq.s32 s10, $0x1;
	s10 =	sld [smem:$0x3FB3]  }
0x3d: {  	_ =	shalt  }
0x3e: {  	_ =	shalt  }
0x3f: {  	_ =	shalt  }
0x40: {  	_ =	shalt  }
0x41: {  	_ =	shalt  }
0x42: {  	_ =	shalt  }
0x43: {  	_ =	shalt  }
0x44: {  	_ =	shalt  }
0x45: {  	_ =	shalt  }
0x46: {  	_ =	shalt  }
0x47: {  	_ =	shalt  }
0x48: {  	_ =	shalt  }
0x49: {  	_ =	shalt  }
0x4a: {  	_ =	shalt  }
0x4b: {  	_ =	shalt  }
0x4c: {  	_ =	shalt  }
0x4d: {  	_ =	shalt  }
0x4e: {  	_ =	shalt  }
0x4f: {  	_ =	shalt  }
0x50: {  	_ =	shalt  }
0x51: {  	_ =	shalt  }
0x52: {  	_ =	shalt  }
0x53: {  	_ =	shalt  }
0x54: {  	_ =	shalt  }
0x55: {  	_ =	shalt  }
0x56: {  	_ =	shalt  }
0x57: {  	_ =	shalt  }
0x58: {  	_ =	shalt  }
0x59: {  	_ =	shalt  }
0x5a: {  	_ =	shalt  }
0x5b: {  	_ =	shalt  }
0x5c: {  	_ =	shalt  }
0x5d: {  	_ =	shalt  }
0x5e: {  	_ =	shalt  }
0x5f: {  	_ =	shalt  }
0x60: {  	_ =	shalt  }
0x61: {  	_ =	shalt  }
0x62: {  	_ =	shalt  }
0x63: {  	_ =	shalt  }
0x64: {  	_ =	shalt  }
0x65: {  	_ =	shalt  }
0x66: {  	_ =	shalt  }
0x67: {  	_ =	shalt  }
0x68: {  	_ =	shalt  }
0x69: {  	_ =	shalt  }
0x6a: {  	_ =	shalt  }
0x6b: {  	_ =	shalt  }
0x6c: {  	_ =	shalt  }
0x6d: {  	_ =	shalt  }
0x6e: {  	_ =	shalt  }
0x6f: {  	_ =	shalt  }
0x70: {  	_ =	shalt  }
0x71: {  	_ =	shalt  }
0x72: {  	_ =	shalt  }
0x73: {  	_ =	shalt  }
0x74: {  	_ =	shalt  }
0x75: {  	_ =	shalt  }
0x76: {  	_ =	shalt  }
0x77: {  	_ =	shalt  }
0x78: {  	_ =	shalt  }
0x79: {  	_ =	shalt  }
0x7a: {  	_ =	shalt  }
0x7b: {  	_ =	shalt  }
0x7c: {  	_ =	shalt  }
0x7d: {  	_ =	shalt  }
0x7e: {  	_ =	shalt  }
0x7f: {  	_ =	shalt  }
0x80: {  	_ =	shalt  }
0x81: {  	_ =	shalt  }
0x82: {  	_ =	shalt  }
0x83: {  	_ =	shalt  }
0x84: {  	_ =	shalt  }
0x85: {  	_ =	shalt  }
0x86: {  	_ =	shalt  }
0x87: {  	_ =	shalt  }
.Lfunc_end0:
.L_simem_size_0:
called_computation.1_lowered:
.L_overlay_start_0:
0x88: {  	s2 =	sld [smem:$0x3FD9]  }
0x89: {  	s3 =	sld [smem:$0x3FFE];
	_ =	sdelay $0x1  }
0x8a: {  	s1 =	srdreg.scid  }
0x8b: {  	s0 =	sand.u32 $0x1, s1  }
0x8c: {  	s16 =	sshll.u32 s0, $0xA;
	s2 =	sadd.s32 s3, s2  }
0x8d: {  	s2 =	sadd.s32 s2, s16  }
0x8e: {  	[smem:$0x3FBF] =	sst s2  }
0x8f: {  	_ = 	snop  }
0x90: {  	(tm) =	ssettm $0x1  }
0x91: {  	s17 =	sld [smem:$0x3FFB];
	_ =	sdelay $0x3  }
0x92: {  	_ =	strace s17  }
0x93: {  	s2 =	sld [smem:$0x3FFC];
	_ =	sdelay $0x3  }
0x94: {  	_ =	strace s2  }
0x95: {  	s2 =	sld [smem:$0x3FFD];
	_ =	sdelay $0x3  }
0x96: {  	_ =	strace s2  }
0x97: {  	_ =	strace $0x8FFFFFFF  }
0x98: {  	s18 =	sld [smem:$0x3FDB];
	_ =	sdelay $0x1  }
0x99: {  	s19 =	simm.s32 $_scs_section_size  }
0x9a: {  	s4 =	simm.s32 $_size__tile_overlayer_lowered;
	s5 =	simm.s32 $_tile_overlayer_lowered  }
0x9b: {  	s22 =	simm.s32 $0x1BFF;
	s21 =	sshll.u32 s5, $0x1;
	s2 =	sadd.s32 s19, s18  }
0x9c: {  	s6 =	simm.s32 $0x0;
	s20 =	sshll.u32 s4, $0x1;
	s4 =	sadd.s32 s21, s2  }
0x9d: {  	[timem:s6], [sflag:s22] =	dma.local [hbm:s4], s20  }
0x9e: {  	_ =	swait.ge [sflag:s22], s20  }
0x9f: {  	s3 =	ssub.s32 $0x0, s20;
	[sflag:s22] =	ssyncset.done $0x0  }
0xa0: {  	[sflag:s22] =	ssyncadd.s32 s3;
	_ =	sdelay $0x1  }
0xa1: {  	s23 =	simm.s32 $0x1B8B  }
0xa2: {  	_ =	swait.ge [sflag:s23], $0x1  }
0xa3: {  	[sflag:s23] =	ssyncset.done $0x0  }
0xa4: {  	s25 =	simm.s32 $0x1B8E;
	s24 =	sld [smem:$0x3FFE];
	[sflag:s23] =	ssyncadd.s32 $0xFFFFFFFF  }
0xa5: {  	s26 =	simm.s32 $execute0_lowered;
	[smem:$0x3FD2] =	sst s25  }
0xa6: {  	s4 =	sshll.u32 s26, $0x1;
	_ =	strace $0x80000049;
	[dreg:$0x1] =	wrdreg $0xFFFFFFFF  }
0xa7: {  	s28 =	simm.s32 $_size_execute0_lowered;
	s2 =	sadd.s32 s2, s4;
	[dreg:$0x0] =	wrdreg $0x0  }
0xa8: {  	s4 =	sshll.u32 s28, $0x1;
	[dreg:$0x2] =	wrdreg s2  }
0xa9: {  	[dreg:$0x3] =	wrdreg s4  }
0xaa: {  	[dreg:$0x4] =	wrdreg $0xC0  }
0xab: {  	_ =	task [dreg:s6], $0x5FFFF  }
0xac: {  	[dreg:$0x1] =	wrdreg $0xFFFFFFFF  }
0xad: {  	[dreg:$0x0] =	wrdreg $0x60  }
0xae: {  	[dreg:$0x2] =	wrdreg s24  }
0xaf: {  	[dreg:$0x3] =	wrdreg $0xDF000  }
0xb0: {  	[dreg:$0x4] =	wrdreg $0x9  }
0xb1: {  	_ =	task.clear_ibuf [dreg:s6], $0x5FFFF;
	_ =	strace $0x90000049  }
0xb2: {  	s29 =	simm.s32 $0x9;
	_ =	strace $0x8000004B  }
0xb3: {  	_ =	swait.ge [sflag:s29], $0x1  }
0xb4: {  	[sflag:s29] =	ssyncadd.s32 $0xFFFFFFFF  }
0xb5: {  	_ =	strace $0x9000004B  }
0xb6: {  	_ =	sfence  }
0xb7: {  	s30 =	sld [smem:$0x0];
	_ =	sdelay $0x2  }
0xb8: {  	s31 =	sshll.u32 s1, $0xD;
	s1 =	sshrl.u32 s1, $0x2  }
0xb9: {  	s3 =	sand.u32 $0x4000, s31;
	s1 =	sadd.s32 s1, s30  }
0xba: {  	s0 =	sor.u32 s3, s0;
	s1 =	sshll.u32 s1, $0x11  }
0xbb: {  	s0 =	sor.u32 s1, s0  }
0xbc: {  	s0 =	sadd.s32 $0x8F2B, s0  }
0xbd: {  	[sflag:s0] =	ssyncadd.remote.s32 $0x1  }
0xbe: {  	_ =	sfence.sel $0xFFFF  }
0xbf: {  	[dreg:$0x0] =	wrdreg $0xFFFFFFFF;
	(pc) =	sbr.abs _section_cstart, $3  }
0xc0: {  	[dreg:$0x1] =	wrdreg $0xFFFFFFFF  }
0xc1: {  	_ =	task.clear_ibuf [dreg:s6], $0x2FFFF;
	_ =	strace $0x9FFFFFFF  }
0xc2: {  	(tm) =	ssettm $0x7FFFFFFF  }
0xc3: {  	_ =	shalt  }
tec
execute0_lowered:
.L_overlay_start_1:
0x0: {  	(tag) =	ssettag $0x1  }
0x1: {  	s5 =	rddreg [dreg:$0x0]  }
0x2: {  	s2 =	rddreg [dreg:$0x1];
	s3 =	simm.s32 $0x0;
	s4 =	srdreg.scid  }
0x3: {  	s1 =	stileid.u32;
	s11 =	simm.s32 $0x3;
	s12 =	simm.s32 $0x2780  }
0x4: {  	s13 =	simm.s32 $0x80;
	s14 =	simm.s32 $0x4F00;
	s15 =	simm.s32 $0x5F00  }
0x5: {  	s16 =	simm.s32 $0x1;
	s17 =	simm.s32 $0x100;
	s18 =	simm.s32 $0x6F00  }
0x6: {  	s19 =	simm.s32 $0x2800;
	s20 =	simm.s32 $0x180;
	s21 =	simm.s32 $0x7F00  }
0x7: {  	s22 =	simm.s32 $0x2;
	s6 =	sand.u32 $0x1, s4;
	s7 =	smul.u32 $0x5000, s1  }
0x8: {  	s31 =	sshll.u32 s1, $0x1;
	[smem:$0x7FF] =	sst s3;
	s8 =	smul.u32 $0x50000, s6  }
0x9: {  	s23 =	simm.s32 $0x0;
	s4 =	sor.u32 s6, s31;
	_ =	strace $0x8000004A  }
0xa: {  	s6 =	ssub.s32 $0x2, s6;
	s9 =	smul.u32 $0x4F0, s4;
	s8 =	sadd.s32 s7, s8  }
0xb: {  	s4 =	sadd.s32 $0x15A00, s5;
	s10 =	sshrl.u32 s6, $0x1;
	s8 =	sshrl.u32 s8, $0x3  }
0xc: {  	s10 =	ssub.s32 s6, s10;
	s9 =	sadd.s32 s9, s5;
	s8 =	sadd.s32 s8, s5  }
0xd: {  	s5 =	sadd.s32 s7, s2;
	s6 =	sadd.s32 $0xBC00, s9;
	s7 =	sadd.s32 $0x1400, s9  }
0xe: {  	v0 =	vimm.f32 $0.0e+00;
	s9 =	smax.u32 s10, $0x1;
	s10 =	simm.s32 $0x8F00;
	s8 =	sadd.s32 $0x1FA00, s8  }
.LBB2_1:
0xf: {  	s24 =	simm.s32 $0x80;
	s25 =	simm.s32 $0x0  }
.LBB2_2:
0x10: {  	p0 =	sne.s32 s24, $0x13F80;
	[tilespmem:s25+$0x8F00] =	vst v0;
	s26 =	smov.u32 s24;
	s24 =	sadd.s32 $0x80, s24  }
.Ltmp0:
0x11: {  	[tilespmem:s25+$0x8F10] =	vst v0;
	(pc) =	sbr.rel @p0 .LBB2_2-.Ltmp0, $2  }
0x12: {  	_ =	sdelay $0x2  }
0x13: {  	s25 =	sshra.s32 s26, $0x2  }
0x14: {  	[tilespmem:s25+$0x8F00] =	vst v0  }
0x15: {  	[tilespmem:s25+$0x8F10] =	vst v0  }
0x16: {  	[spmem:s5] =	stream.linear.scatter [tilespmem:s10], [sflag:$0x3], $0x5000, $0x38;
	[tilespmem:$0x12F00] =	vst v63  }
0x17: {  	_ =	swait.ge [sflag:s11], $0x5000  }
0x18: {  	[sflag:s11] =	ssyncset.done $0x0  }
0x19: {  	[sflag:s11] =	ssyncadd.s32 $0xFFFFB000  }
0x1a: {  	[tilespmem:s3], [sflag:$0x3] =	stream.linear.gather [hbm4b:s6+s3], $0x2780, $0x38;
	[tilespmem:$0x12F00] =	vst v63  }
0x1b: {  	_ =	swait.ge [sflag:s11], $0x2780  }
0x1c: {  	[sflag:s11] =	ssyncset.done $0x0  }
0x1d: {  	[sflag:s11] =	ssyncadd.s32 $0xFFFFD880  }
0x1e: {  	[tilespmem:s12], [sflag:$0x3] =	stream.linear.gather [hbm4b:s7+s3], $0x2780, $0x38;
	[tilespmem:$0x12F00] =	vst v63  }
0x1f: {  	_ =	swait.ge [sflag:s11], $0x2780  }
0x20: {  	[sflag:s11] =	ssyncset.done $0x0  }
0x21: {  	[sflag:s11] =	ssyncadd.s32 $0xFFFFD880  }
0x22: {  	[bflag:$0x0] =	sbarrier.arrive $0xFFFF  }
0x23: {  	[tilespmem:s14], [sflag:$0x1] =	stream.indirect.gather [hbm4b:s4+s13], $0x20, s3, s13, $0xb8;
	[tilespmem:$0x12F00] =	vst v63  }
0x24: {  	_ = 	snop  }
0x25: {  	[tilespmem:s15], [sflag:$0x1] =	stream.indirect.gather [hbm4b:s4+s13], $0x20, s13, s13, $0xb8;
	[tilespmem:$0x12F00] =	vst v63  }
0x26: {  	_ =	swait.ge [sflag:s16], $0x1000  }
0x27: {  	[sflag:s16] =	ssyncset.done $0x0  }
0x28: {  	[sflag:s16] =	ssyncadd.s32 $0xFFFFF000  }
0x29: {  	[spmem:s2] =	stream.indirect.scatter.add.f32 [tilespmem:s14], [sflag:$0x2], $0x20, s12, s13, $0xb8;
	[tilespmem:$0x12F00] =	vst v63  }
0x2a: {  	_ = 	snop  }
0x2b: {  	[tilespmem:s18], [sflag:$0x1] =	stream.indirect.gather [hbm4b:s4+s13], $0x20, s17, s13, $0xb8;
	[tilespmem:$0x12F00] =	vst v63  }
0x2c: {  	_ =	swait.ge [sflag:s16], $0x1000  }
0x2d: {  	[sflag:s16] =	ssyncset.done $0x0  }
0x2e: {  	[sflag:s16] =	ssyncadd.s32 $0xFFFFF000  }
0x2f: {  	[spmem:s2] =	stream.indirect.scatter.add.f32 [tilespmem:s15], [sflag:$0x2], $0x20, s19, s13, $0xb8;
	[tilespmem:$0x12F00] =	vst v63  }
0x30: {  	s29 =	simm.s32 $0x4000;
	s24 =	simm.s32 $0x200  }
0x31: {  	[tilespmem:s21], [sflag:$0x1] =	stream.indirect.gather [hbm4b:s4+s13], $0x20, s20, s13, $0xb8;
	[tilespmem:$0x12F00] =	vst v63  }
0x32: {  	s28 =	simm.s32 $0x2880;
	s26 =	simm.s32 $0x2000;
	_ =	swait.ge [sflag:s16], $0x1000  }
0x33: {  	s25 =	simm.s32 $0x3;
	s30 =	sand.u32 $0x3000, s26;
	[sflag:s16] =	ssyncset.done $0x0  }
0x34: {  	p0 =	por $0x0, $0x0;
	s30 =	sor.u32 $0x4F00, s30;
	[sflag:s16] =	ssyncadd.s32 $0xFFFFF000  }
0x35: {  	[spmem:s2] =	stream.indirect.scatter.add.f32 [tilespmem:s30], [sflag:$0x2], $0x20, s28, s13, $0xb8;
	[tilespmem:$0x12F00] =	vst v63  }
0x36: {  	s26 =	simm.s32 $0x2900;
	s31 =	simm.s32 @!p0 $0x80;
	_ =	swait.ge [sflag:s22], $0x1000  }
0x37: {  	s28 =	simm.s32 $0x280;
	s30 =	sand.u32 @!p0 $0x3000, s29;
	[sflag:s22] =	ssyncset.done $0x0  }
0x38: {  	s29 =	simm.s32 $0x5000;
	s30 =	sor.u32 @!p0 $0x4F00, s30;
	[sflag:s22] =	ssyncadd.s32 $0xFFFFF000  }
.LBB2_4:
0x39: {  	[tilespmem:s30], [sflag:$0x1] =	stream.indirect.gather @!p0 [hbm4b:s4+s31], $0x20, s24, s31, $0xb8;
	[tilespmem:$0x12F00] =	vst v63  }
0x3a: {  	s30 =	smov.u32 s25;
	s31 =	smov.u32 s26;
	s24 =	smov.u32 s28  }
0x3b: {  	s25 =	sadd.s32 $0x1, s25  }
0x3c: {  	s0 =	sadd.s32 $0xFFFFE000, s29;
	p1 =	sne.s32 s25, $0x4F;
	_ =	swait.ge [sflag:s16], $0x1000  }
0x3d: {  	s26 =	sadd.s32 $0x80, s26;
	s0 =	sand.u32 $0x3000, s0;
	[sflag:s16] =	ssyncset.done $0x0  }
.Ltmp1:
0x3e: {  	s0 =	sor.u32 $0x4F00, s0;
	[sflag:s16] =	ssyncadd.s32 $0xFFFFF000;
	(pc) =	sbr.rel @p1 .LBB2_4-.Ltmp1, $4  }
0x3f: {  	[spmem:s2] =	stream.indirect.scatter.add.f32 [tilespmem:s0], [sflag:$0x2], $0x20, s31, s13, $0xb8;
	[tilespmem:$0x12F00] =	vst v63  }
0x40: {  	s28 =	sadd.s32 $0x80, s28;
	p0 =	sgt.u32 s30, $0x4C;
	_ =	swait.ge [sflag:s22], $0x1000  }
0x41: {  	s0 =	sand.u32 @!p0 $0x3000, s29;
	s29 =	sadd.s32 $0x1000, s29;
	[sflag:s22] =	ssyncset.done $0x0  }
0x42: {  	s31 =	simm.s32 @!p0 $0x80;
	s30 =	sor.u32 @!p0 $0x4F00, s0;
	[sflag:s22] =	ssyncadd.s32 $0xFFFFF000  }
0x43: {  	[tilespmem:s30], [sflag:$0x1] =	stream.indirect.gather @!p0 [hbm4b:s4+s31], $0x20, s24, s31, $0xb8;
	[tilespmem:$0x12F00] =	vst v63  }
0x44: {  	_ =	swait.ge [sflag:s22], $0x1000  }
0x45: {  	[sflag:s22] =	ssyncset.done $0x0  }
0x46: {  	[sflag:s22] =	ssyncadd.s32 $0xFFFFF000  }
0x47: {  	_ =	swait.ge [sflag:s22], $0x1000  }
0x48: {  	s0 =	sshll.u32 s1, $0x6;
	s23 =	sadd.s32 $0x1, s23;
	[sflag:s22] =	ssyncset.done $0x0  }
0x49: {  	s31 =	sshrl.u32 s5, $0x3;
	p0 =	sne.s32 s23, s9;
	[sflag:s22] =	ssyncadd.s32 $0xFFFFF000  }
.Ltmp2:
0x4a: {  	s0 =	sor.u32 $0x1C03, s0;
	[bflag:$0x0] =	sbarrier.arrive $0xFFFF;
	(pc) =	sbr.rel @p0 .LBB2_1-.Ltmp2, $4  }
0x4b: {  	[hbm:s8], [sflag:s0] =	dma.local [spmem:s31], $0xA00  }
0x4c: {  	_ =	swait.ge [sflag:s11], $0xA00  }
0x4d: {  	[sflag:s11] =	ssyncset.done $0x0  }
0x4e: {  	[sflag:s11] =	ssyncadd.s32 $0xFFFFF600  }
0x4f: {  	_ =	sfence.sel $0x180000  }
0x50: {  	[bflag:$0x0] =	sbarrier.arrive $0xFFFF  }
0x51: {  	_ =	strace $0x9000004A  }
0x52: {  	[bflag:$0x2] =	sbarrier.arrive $0xFFFF  }
0x53: {  	p0 =	sne.s32 s1, $0x0;
	s0 =	rddreg [dreg:$0x2]  }
0x54: {  	s0 =	sadd.s32 @!p0 $0x100000, s0  }
0x55: {  	[sflag:s0] =	ssyncadd.tile.s32 @!p0 $0x1;
	_ =	shalt  }
.Lfunc_end2:
_tile_overlayer_lowered:
.L_overlay_start_2:
0x56: {  	(tag) =	ssettag $0x2  }
0x57: {  	s0 =	rddreg [dreg:$0x0];
	s2 =	stileid.u32  }
0x58: {  	s1 =	rddreg [dreg:$0x1];
	p0 =	sne.s32 s2, $0x0  }
0x59: {  	s3 =	rddreg [dreg:$0x2];
	[bflag:$0x3] =	sbarrier.arrive $0xFFFF;
	s2 =	simm.s32 @!p0 $0x1C03  }
0x5a: {  	[timem:s3], [sflag:s2] =	dma.local @!p0 [hbm:s0], s1  }
0x5b: {  	s0 =	simm.s32 @!p0 $0x3  }
0x5c: {  	_ =	swait.ge @!p0 [sflag:s0], s1  }
0x5d: {  	s1 =	ssub.s32 @!p0 $0x0, s1;
	[sflag:s0] =	ssyncset.done @!p0 $0x0  }
0x5e: {  	[sflag:s0] =	ssyncadd.s32 @!p0 s1  }
0x5f: {  	[bflag:$0x3] =	sbarrier.arrive $0xFFFF  }
0x60: {  	_ =	shalt  }

// kernel: kernel.14.cloned.1.call-start
scs
__scs_entry_jumppad:
0x0: {  	(pc) =	sbr.rel $0x88, $3  }
0x1: {  	(tag) =	ssettag $0x0;
	lr =	simm.s32 $0x1  }
0x2: {  	[smem:$0x3F98] =	sst lr;
	_ =	strace $0xD0000000  }
0x3: {  	_ = 	snop  }
0x4: {  	_ = 	snop  }
0x5: {  	_ = 	snop  }
0x6: {  	_ = 	snop  }
0x7: {  	_ = 	snop  }
__scs_overlays_trampoline_lowered:
0x8: {  	[smem:$0x3FA7] =	sst s0  }
0x9: {  	[smem:$0x3FA8] =	sst s1  }
0xa: {  	[smem:$0x3FA9] =	sst s2  }
0xb: {  	[smem:$0x3FAA] =	sst s3  }
0xc: {  	[smem:$0x3FAB] =	sst s4  }
0xd: {  	[smem:$0x3FAC] =	sst s5  }
0xe: {  	[smem:$0x3FAD] =	sst s6  }
0xf: {  	[smem:$0x3FAE] =	sst s7  }
0x10: {  	[smem:$0x3FAF] =	sst s8  }
0x11: {  	[smem:$0x3FB0] =	sst s9;
	s0 =	simm.s32 @!p0 $0x0  }
0x12: {  	s1 =	sld [smem:$0x3F96];
	s0 =	simm.s32 @p0 $0x1  }
0x13: {  	[smem:$0x3FB1] =	sst s0;
	s0 =	simm.s32 @!p1 $0x0  }
0x14: {  	s2 =	sld [smem:$0x3F95];
	s0 =	simm.s32 @p1 $0x1  }
0x15: {  	[smem:$0x3FB2] =	sst s0;
	s0 =	simm.s32 @!p2 $0x0  }
0x16: {  	s3 =	sld [smem:$0x3FDB];
	s0 =	simm.s32 @p2 $0x1  }
0x17: {  	s4 =	simm.s32 $0x1BF5;
	[smem:$0x3FB4] =	sst s0  }
0x18: {  	s0 =	sld [smem:$0x3F97];
	_ =	swait.ge [sflag:s4], $0x0  }
0x19: {  	s7 =	sld [smem:$0x3F98]  }
0x1a: {  	s8 =	sadd.s32 $0xFFFFE003, lr  }
0x1b: {  	s9 =	sadd.s32 $0xFFFFFEF7, lr;
	s5 =	simm.s32 $0xFFFFFFFF;
	p2 =	slt.u32 s8, $0xFFFFF086  }
0x1c: {  	p1 =	slt.u32 s9, $0xF7A;
	s5 =	simm.s32 @!p2 $0x0  }
0x1d: {  	s5 =	simm.s32 @p1 $0x1;
	p0 =	seq.s32 s7, s2  }
0x1e: {  	s7 =	smul.u32 @!p0 $0xF7A, s2;
	p2 =	seq.s32 @!p0 s5, $0x0  }
0x1f: {  	s9 =	smul.u32 $0xF7A, s1;
	s8 =	simm.s32 @!p0 $0x1BF5;
	p2 =	por !p2, p0  }
0x20: {  	[sflag:s8] =	ssyncset.s32 @!p0 $0xFFFFF086;
	s6 =	sadd.s32 @!p0 s3, s7;
	s7 =	simm.s32 @!p0 $0x108  }
0x21: {  	s3 =	sadd.s32 s3, s9;
	s6 =	sadd.s32 @!p0 $0x88, s6;
	s7 =	simm.s32 @p2 $0x1082  }
0x22: {  	[simem:s7], [sflag:s8] =	dma.local @!p0 [hbm:s6], $0xF7A  }
0x23: {  	s9 =	sor.u32 $0xD0000000, s2;
	s6 =	simm.s32 $0x108;
	_ =	swait.ge @!p0 [sflag:s8], $0x0  }
0x24: {  	s3 =	sadd.s32 $0x88, s3;
	s6 =	simm.s32 @!p1 $0x1082;
	[sflag:s4] =	ssyncset.s32 $0xFFFFF086  }
0x25: {  	[simem:s6], [sflag:s4] =	dma.local [hbm:s3], $0xF7A  }
0x26: {  	[smem:$0x3F98] =	sst s1;
	(tag) =	ssettag s2;
	_ =	strace s9  }
0x27: {  	s1 =	sld [smem:$0x3FA8]  }
0x28: {  	s2 =	sld [smem:$0x3FA9]  }
0x29: {  	s4 =	sld [smem:$0x3FAB]  }
0x2a: {  	p0 =	seq.s32 s5, $0x0;
	s5 =	sld [smem:$0x3FAC]  }
0x2b: {  	s6 =	sld [smem:$0x3FAD]  }
0x2c: {  	s7 =	sld [smem:$0x3FAE]  }
0x2d: {  	s3 =	simm.s32 $0x108;
	s8 =	sld [smem:$0x3FAF]  }
0x2e: {  	s3 =	simm.s32 @!p0 $0x1082;
	s9 =	sld [smem:$0x3FB0]  }
0x2f: {  	lr =	sadd.s32 s0, s3;
	s0 =	sld [smem:$0x3FA7]  }
0x30: {  	s3 =	sld [smem:$0x3FAA]  }
0x31: {  	[smem:$0x3FB3] =	sst s10  }
0x32: {  	s10 =	sld [smem:$0x3FB1];
	_ =	sdelay $0x3  }
0x33: {  	p0 =	seq.s32 s10, $0x1;
	s10 =	sld [smem:$0x3FB3];
	_ =	sdelay $0x3  }
0x34: {  	[smem:$0x3FB3] =	sst s10  }
0x35: {  	s10 =	sld [smem:$0x3FB2];
	_ =	sdelay $0x3  }
0x36: {  	p1 =	seq.s32 s10, $0x1;
	s10 =	sld [smem:$0x3FB3];
	_ =	sdelay $0x3  }
0x37: {  	[smem:$0x3FB3] =	sst s10  }
0x38: {  	s10 =	sld [smem:$0x3FB4]  }
0x39: {  	_ = 	snop;
	(pc) =	sbr.ind lr, $3  }
0x3a: {  	_ = 	snop  }
0x3b: {  	_ = 	snop  }
0x3c: {  	p2 =	seq.s32 s10, $0x1;
	s10 =	sld [smem:$0x3FB3]  }
0x3d: {  	_ =	shalt  }
0x3e: {  	_ =	shalt  }
0x3f: {  	_ =	shalt  }
0x40: {  	_ =	shalt  }
0x41: {  	_ =	shalt  }
0x42: {  	_ =	shalt  }
0x43: {  	_ =	shalt  }
0x44: {  	_ =	shalt  }
0x45: {  	_ =	shalt  }
0x46: {  	_ =	shalt  }
0x47: {  	_ =	shalt  }
0x48: {  	_ =	shalt  }
0x49: {  	_ =	shalt  }
0x4a: {  	_ =	shalt  }
0x4b: {  	_ =	shalt  }
0x4c: {  	_ =	shalt  }
0x4d: {  	_ =	shalt  }
0x4e: {  	_ =	shalt  }
0x4f: {  	_ =	shalt  }
0x50: {  	_ =	shalt  }
0x51: {  	_ =	shalt  }
0x52: {  	_ =	shalt  }
0x53: {  	_ =	shalt  }
0x54: {  	_ =	shalt  }
0x55: {  	_ =	shalt  }
0x56: {  	_ =	shalt  }
0x57: {  	_ =	shalt  }
0x58: {  	_ =	shalt  }
0x59: {  	_ =	shalt  }
0x5a: {  	_ =	shalt  }
0x5b: {  	_ =	shalt  }
0x5c: {  	_ =	shalt  }
0x5d: {  	_ =	shalt  }
0x5e: {  	_ =	shalt  }
0x5f: {  	_ =	shalt  }
0x60: {  	_ =	shalt  }
0x61: {  	_ =	shalt  }
0x62: {  	_ =	shalt  }
0x63: {  	_ =	shalt  }
0x64: {  	_ =	shalt  }
0x65: {  	_ =	shalt  }
0x66: {  	_ =	shalt  }
0x67: {  	_ =	shalt  }
0x68: {  	_ =	shalt  }
0x69: {  	_ =	shalt  }
0x6a: {  	_ =	shalt  }
0x6b: {  	_ =	shalt  }
0x6c: {  	_ =	shalt  }
0x6d: {  	_ =	shalt  }
0x6e: {  	_ =	shalt  }
0x6f: {  	_ =	shalt  }
0x70: {  	_ =	shalt  }
0x71: {  	_ =	shalt  }
0x72: {  	_ =	shalt  }
0x73: {  	_ =	shalt  }
0x74: {  	_ =	shalt  }
0x75: {  	_ =	shalt  }
0x76: {  	_ =	shalt  }
0x77: {  	_ =	shalt  }
0x78: {  	_ =	shalt  }
0x79: {  	_ =	shalt  }
0x7a: {  	_ =	shalt  }
0x7b: {  	_ =	shalt  }
0x7c: {  	_ =	shalt  }
0x7d: {  	_ =	shalt  }
0x7e: {  	_ =	shalt  }
0x7f: {  	_ =	shalt  }
0x80: {  	_ =	shalt  }
0x81: {  	_ =	shalt  }
0x82: {  	_ =	shalt  }
0x83: {  	_ =	shalt  }
0x84: {  	_ =	shalt  }
0x85: {  	_ =	shalt  }
0x86: {  	_ =	shalt  }
0x87: {  	_ =	shalt  }
.Lfunc_end0:
.L_simem_size_0:
called_computation.2_lowered:
.L_overlay_start_0:
0x88: {  	s2 =	sld [smem:$0x3FD9]  }
0x89: {  	s3 =	sld [smem:$0x3FFE];
	_ =	sdelay $0x1  }
0x8a: {  	s1 =	srdreg.scid  }
0x8b: {  	s0 =	sand.u32 $0x1, s1  }
0x8c: {  	s16 =	sshll.u32 s0, $0xA;
	s2 =	sadd.s32 s3, s2  }
0x8d: {  	s2 =	sadd.s32 s2, s16  }
0x8e: {  	[smem:$0x3FBF] =	sst s2  }
0x8f: {  	_ = 	snop  }
0x90: {  	(tm) =	ssettm $0x1  }
0x91: {  	s17 =	sld [smem:$0x3FFB];
	_ =	sdelay $0x3  }
0x92: {  	_ =	strace s17  }
0x93: {  	s2 =	sld [smem:$0x3FFC];
	_ =	sdelay $0x3  }
0x94: {  	_ =	strace s2  }
0x95: {  	s2 =	sld [smem:$0x3FFD];
	_ =	sdelay $0x3  }
0x96: {  	_ =	strace s2  }
0x97: {  	_ =	strace $0x8FFFFFFF  }
0x98: {  	s18 =	sld [smem:$0x3FDB];
	_ =	sdelay $0x1  }
0x99: {  	s19 =	simm.s32 $_scs_section_size  }
0x9a: {  	s4 =	simm.s32 $_size__tile_overlayer_lowered;
	s5 =	simm.s32 $_tile_overlayer_lowered  }
0x9b: {  	s22 =	simm.s32 $0x1BFF;
	s21 =	sshll.u32 s5, $0x1;
	s2 =	sadd.s32 s19, s18  }
0x9c: {  	s6 =	simm.s32 $0x0;
	s20 =	sshll.u32 s4, $0x1;
	s4 =	sadd.s32 s21, s2  }
0x9d: {  	[timem:s6], [sflag:s22] =	dma.local [hbm:s4], s20  }
0x9e: {  	_ =	swait.ge [sflag:s22], s20  }
0x9f: {  	s3 =	ssub.s32 $0x0, s20;
	[sflag:s22] =	ssyncset.done $0x0  }
0xa0: {  	[sflag:s22] =	ssyncadd.s32 s3;
	_ =	sdelay $0x1  }
0xa1: {  	s23 =	simm.s32 $0x1B8B  }
0xa2: {  	_ =	swait.ge [sflag:s23], $0x1  }
0xa3: {  	[sflag:s23] =	ssyncset.done $0x0  }
0xa4: {  	s25 =	simm.s32 $0x1B8E;
	s24 =	sld [smem:$0x3FFE];
	[sflag:s23] =	ssyncadd.s32 $0xFFFFFFFF  }
0xa5: {  	s26 =	simm.s32 $execute0_lowered;
	[smem:$0x3FD2] =	sst s25  }
0xa6: {  	s4 =	sshll.u32 s26, $0x1;
	_ =	strace $0x8000004C;
	[dreg:$0x1] =	wrdreg $0xFFFFFFFF  }
0xa7: {  	s28 =	simm.s32 $_size_execute0_lowered;
	s2 =	sadd.s32 s2, s4;
	[dreg:$0x0] =	wrdreg $0x0  }
0xa8: {  	s4 =	sshll.u32 s28, $0x1;
	[dreg:$0x2] =	wrdreg s2  }
0xa9: {  	[dreg:$0x3] =	wrdreg s4  }
0xaa: {  	[dreg:$0x4] =	wrdreg $0xC0  }
0xab: {  	_ =	task [dreg:s6], $0x5FFFF  }
0xac: {  	[dreg:$0x1] =	wrdreg $0xFFFFFFFF  }
0xad: {  	[dreg:$0x0] =	wrdreg $0x60  }
0xae: {  	[dreg:$0x2] =	wrdreg s24  }
0xaf: {  	[dreg:$0x3] =	wrdreg $0xDF000  }
0xb0: {  	[dreg:$0x4] =	wrdreg $0x9  }
0xb1: {  	_ =	task.clear_ibuf [dreg:s6], $0x5FFFF;
	_ =	strace $0x9000004C  }
0xb2: {  	s29 =	simm.s32 $0x9;
	_ =	strace $0x8000004E  }
0xb3: {  	_ =	swait.ge [sflag:s29], $0x1  }
0xb4: {  	[sflag:s29] =	ssyncadd.s32 $0xFFFFFFFF  }
0xb5: {  	_ =	strace $0x9000004E  }
0xb6: {  	_ =	sfence  }
0xb7: {  	s30 =	sld [smem:$0x0];
	_ =	sdelay $0x2  }
0xb8: {  	s31 =	sshll.u32 s1, $0xD;
	s1 =	sshrl.u32 s1, $0x2  }
0xb9: {  	s3 =	sand.u32 $0x4000, s31;
	s1 =	sadd.s32 s1, s30  }
0xba: {  	s0 =	sor.u32 s3, s0;
	s1 =	sshll.u32 s1, $0x11  }
0xbb: {  	s0 =	sor.u32 s1, s0  }
0xbc: {  	s0 =	sadd.s32 $0x8F2B, s0  }
0xbd: {  	[sflag:s0] =	ssyncadd.remote.s32 $0x1  }
0xbe: {  	_ =	sfence.sel $0xFFFF  }
0xbf: {  	[dreg:$0x0] =	wrdreg $0xFFFFFFFF;
	(pc) =	sbr.abs _section_cstart, $3  }
0xc0: {  	[dreg:$0x1] =	wrdreg $0xFFFFFFFF  }
0xc1: {  	_ =	task.clear_ibuf [dreg:s6], $0x2FFFF;
	_ =	strace $0x9FFFFFFF  }
0xc2: {  	(tm) =	ssettm $0x7FFFFFFF  }
0xc3: {  	_ =	shalt  }
tec
execute0_lowered:
.L_overlay_start_1:
0x0: {  	(tag) =	ssettag $0x1  }
0x1: {  	s5 =	rddreg [dreg:$0x0]  }
0x2: {  	s2 =	rddreg [dreg:$0x1];
	s3 =	simm.s32 $0x0;
	s4 =	srdreg.scid  }
0x3: {  	s1 =	stileid.u32;
	s11 =	simm.s32 $0x3;
	s12 =	simm.s32 $0x2780  }
0x4: {  	s13 =	simm.s32 $0x80;
	s14 =	simm.s32 $0x4F00;
	s15 =	simm.s32 $0x5F00  }
0x5: {  	s16 =	simm.s32 $0x1;
	s17 =	simm.s32 $0x100;
	s18 =	simm.s32 $0x6F00  }
0x6: {  	s19 =	simm.s32 $0x2800;
	s20 =	simm.s32 $0x180;
	s21 =	simm.s32 $0x7F00  }
0x7: {  	s22 =	simm.s32 $0x2;
	s6 =	sand.u32 $0x1, s4;
	s7 =	smul.u32 $0x5000, s1  }
0x8: {  	s31 =	sshll.u32 s1, $0x1;
	[smem:$0x7FF] =	sst s3;
	s8 =	smul.u32 $0x50000, s6  }
0x9: {  	s23 =	simm.s32 $0x0;
	s4 =	sor.u32 s6, s31;
	_ =	strace $0x8000004D  }
0xa: {  	s6 =	ssub.s32 $0x2, s6;
	s9 =	smul.u32 $0x4F0, s4;
	s8 =	sadd.s32 s7, s8  }
0xb: {  	s4 =	sadd.s32 $0x15A00, s5;
	s10 =	sshrl.u32 s6, $0x1;
	s8 =	sshrl.u32 s8, $0x3  }
0xc: {  	s10 =	ssub.s32 s6, s10;
	s9 =	sadd.s32 s9, s5;
	s8 =	sadd.s32 s8, s5  }
0xd: {  	s5 =	sadd.s32 s7, s2;
	s6 =	sadd.s32 $0xBC00, s9;
	s7 =	sadd.s32 $0x1400, s9  }
0xe: {  	v0 =	vimm.f32 $0.0e+00;
	s9 =	smax.u32 s10, $0x1;
	s10 =	simm.s32 $0x8F00;
	s8 =	sadd.s32 $0x1FA00, s8  }
.LBB2_1:
0xf: {  	s24 =	simm.s32 $0x80;
	s25 =	simm.s32 $0x0  }
.LBB2_2:
0x10: {  	p0 =	sne.s32 s24, $0x13F80;
	[tilespmem:s25+$0x8F00] =	vst v0;
	s26 =	smov.u32 s24;
	s24 =	sadd.s32 $0x80, s24  }
.Ltmp0:
0x11: {  	[tilespmem:s25+$0x8F10] =	vst v0;
	(pc) =	sbr.rel @p0 .LBB2_2-.Ltmp0, $2  }
0x12: {  	_ =	sdelay $0x2  }
0x13: {  	s25 =	sshra.s32 s26, $0x2  }
0x14: {  	[tilespmem:s25+$0x8F00] =	vst v0  }
0x15: {  	[tilespmem:s25+$0x8F10] =	vst v0  }
0x16: {  	[spmem:s5] =	stream.linear.scatter [tilespmem:s10], [sflag:$0x3], $0x5000, $0x38;
	[tilespmem:$0x12F00] =	vst v63  }
0x17: {  	_ =	swait.ge [sflag:s11], $0x5000  }
0x18: {  	[sflag:s11] =	ssyncset.done $0x0  }
0x19: {  	[sflag:s11] =	ssyncadd.s32 $0xFFFFB000  }
0x1a: {  	[tilespmem:s3], [sflag:$0x3] =	stream.linear.gather [hbm4b:s6+s3], $0x2780, $0x38;
	[tilespmem:$0x12F00] =	vst v63  }
0x1b: {  	_ =	swait.ge [sflag:s11], $0x2780  }
0x1c: {  	[sflag:s11] =	ssyncset.done $0x0  }
0x1d: {  	[sflag:s11] =	ssyncadd.s32 $0xFFFFD880  }
0x1e: {  	[tilespmem:s12], [sflag:$0x3] =	stream.linear.gather [hbm4b:s7+s3], $0x2780, $0x38;
	[tilespmem:$0x12F00] =	vst v63  }
0x1f: {  	_ =	swait.ge [sflag:s11], $0x2780  }
0x20: {  	[sflag:s11] =	ssyncset.done $0x0  }
0x21: {  	[sflag:s11] =	ssyncadd.s32 $0xFFFFD880  }
0x22: {  	[bflag:$0x0] =	sbarrier.arrive $0xFFFF  }
0x23: {  	[tilespmem:s14], [sflag:$0x1] =	stream.indirect.gather [hbm4b:s4+s13], $0x20, s3, s13, $0xb8;
	[tilespmem:$0x12F00] =	vst v63  }
0x24: {  	_ = 	snop  }
0x25: {  	[tilespmem:s15], [sflag:$0x1] =	stream.indirect.gather [hbm4b:s4+s13], $0x20, s13, s13, $0xb8;
	[tilespmem:$0x12F00] =	vst v63  }
0x26: {  	_ =	swait.ge [sflag:s16], $0x1000  }
0x27: {  	[sflag:s16] =	ssyncset.done $0x0  }
0x28: {  	[sflag:s16] =	ssyncadd.s32 $0xFFFFF000  }
0x29: {  	[spmem:s2] =	stream.indirect.scatter.add.f32 [tilespmem:s14], [sflag:$0x2], $0x20, s12, s13, $0xb8;
	[tilespmem:$0x12F00] =	vst v63  }
0x2a: {  	_ = 	snop  }
0x2b: {  	[tilespmem:s18], [sflag:$0x1] =	stream.indirect.gather [hbm4b:s4+s13], $0x20, s17, s13, $0xb8;
	[tilespmem:$0x12F00] =	vst v63  }
0x2c: {  	_ =	swait.ge [sflag:s16], $0x1000  }
0x2d: {  	[sflag:s16] =	ssyncset.done $0x0  }
0x2e: {  	[sflag:s16] =	ssyncadd.s32 $0xFFFFF000  }
0x2f: {  	[spmem:s2] =	stream.indirect.scatter.add.f32 [tilespmem:s15], [sflag:$0x2], $0x20, s19, s13, $0xb8;
	[tilespmem:$0x12F00] =	vst v63  }
0x30: {  	s29 =	simm.s32 $0x4000;
	s24 =	simm.s32 $0x200  }
0x31: {  	[tilespmem:s21], [sflag:$0x1] =	stream.indirect.gather [hbm4b:s4+s13], $0x20, s20, s13, $0xb8;
	[tilespmem:$0x12F00] =	vst v63  }
0x32: {  	s28 =	simm.s32 $0x2880;
	s26 =	simm.s32 $0x2000;
	_ =	swait.ge [sflag:s16], $0x1000  }
0x33: {  	s25 =	simm.s32 $0x3;
	s30 =	sand.u32 $0x3000, s26;
	[sflag:s16] =	ssyncset.done $0x0  }
0x34: {  	p0 =	por $0x0, $0x0;
	s30 =	sor.u32 $0x4F00, s30;
	[sflag:s16] =	ssyncadd.s32 $0xFFFFF000  }
0x35: {  	[spmem:s2] =	stream.indirect.scatter.add.f32 [tilespmem:s30], [sflag:$0x2], $0x20, s28, s13, $0xb8;
	[tilespmem:$0x12F00] =	vst v63  }
0x36: {  	s26 =	simm.s32 $0x2900;
	s31 =	simm.s32 @!p0 $0x80;
	_ =	swait.ge [sflag:s22], $0x1000  }
0x37: {  	s28 =	simm.s32 $0x280;
	s30 =	sand.u32 @!p0 $0x3000, s29;
	[sflag:s22] =	ssyncset.done $0x0  }
0x38: {  	s29 =	simm.s32 $0x5000;
	s30 =	sor.u32 @!p0 $0x4F00, s30;
	[sflag:s22] =	ssyncadd.s32 $0xFFFFF000  }
.LBB2_4:
0x39: {  	[tilespmem:s30], [sflag:$0x1] =	stream.indirect.gather @!p0 [hbm4b:s4+s31], $0x20, s24, s31, $0xb8;
	[tilespmem:$0x12F00] =	vst v63  }
0x3a: {  	s30 =	smov.u32 s25;
	s31 =	smov.u32 s26;
	s24 =	smov.u32 s28  }
0x3b: {  	s25 =	sadd.s32 $0x1, s25  }
0x3c: {  	s0 =	sadd.s32 $0xFFFFE000, s29;
	p1 =	sne.s32 s25, $0x4F;
	_ =	swait.ge [sflag:s16], $0x1000  }
0x3d: {  	s26 =	sadd.s32 $0x80, s26;
	s0 =	sand.u32 $0x3000, s0;
	[sflag:s16] =	ssyncset.done $0x0  }
.Ltmp1:
0x3e: {  	s0 =	sor.u32 $0x4F00, s0;
	[sflag:s16] =	ssyncadd.s32 $0xFFFFF000;
	(pc) =	sbr.rel @p1 .LBB2_4-.Ltmp1, $4  }
0x3f: {  	[spmem:s2] =	stream.indirect.scatter.add.f32 [tilespmem:s0], [sflag:$0x2], $0x20, s31, s13, $0xb8;
	[tilespmem:$0x12F00] =	vst v63  }
0x40: {  	s28 =	sadd.s32 $0x80, s28;
	p0 =	sgt.u32 s30, $0x4C;
	_ =	swait.ge [sflag:s22], $0x1000  }
0x41: {  	s0 =	sand.u32 @!p0 $0x3000, s29;
	s29 =	sadd.s32 $0x1000, s29;
	[sflag:s22] =	ssyncset.done $0x0  }
0x42: {  	s31 =	simm.s32 @!p0 $0x80;
	s30 =	sor.u32 @!p0 $0x4F00, s0;
	[sflag:s22] =	ssyncadd.s32 $0xFFFFF000  }
0x43: {  	[tilespmem:s30], [sflag:$0x1] =	stream.indirect.gather @!p0 [hbm4b:s4+s31], $0x20, s24, s31, $0xb8;
	[tilespmem:$0x12F00] =	vst v63  }
0x44: {  	_ =	swait.ge [sflag:s22], $0x1000  }
0x45: {  	[sflag:s22] =	ssyncset.done $0x0  }
0x46: {  	[sflag:s22] =	ssyncadd.s32 $0xFFFFF000  }
0x47: {  	_ =	swait.ge [sflag:s22], $0x1000  }
0x48: {  	s0 =	sshll.u32 s1, $0x6;
	s23 =	sadd.s32 $0x1, s23;
	[sflag:s22] =	ssyncset.done $0x0  }
0x49: {  	s31 =	sshrl.u32 s5, $0x3;
	p0 =	sne.s32 s23, s9;
	[sflag:s22] =	ssyncadd.s32 $0xFFFFF000  }
.Ltmp2:
0x4a: {  	s0 =	sor.u32 $0x1C03, s0;
	[bflag:$0x0] =	sbarrier.arrive $0xFFFF;
	(pc) =	sbr.rel @p0 .LBB2_1-.Ltmp2, $4  }
0x4b: {  	[hbm:s8], [sflag:s0] =	dma.local [spmem:s31], $0xA00  }
0x4c: {  	_ =	swait.ge [sflag:s11], $0xA00  }
0x4d: {  	[sflag:s11] =	ssyncset.done $0x0  }
0x4e: {  	[sflag:s11] =	ssyncadd.s32 $0xFFFFF600  }
0x4f: {  	_ =	sfence.sel $0x180000  }
0x50: {  	[bflag:$0x0] =	sbarrier.arrive $0xFFFF  }
0x51: {  	_ =	strace $0x9000004D  }
0x52: {  	[bflag:$0x2] =	sbarrier.arrive $0xFFFF  }
0x53: {  	p0 =	sne.s32 s1, $0x0;
	s0 =	rddreg [dreg:$0x2]  }
0x54: {  	s0 =	sadd.s32 @!p0 $0x100000, s0  }
0x55: {  	[sflag:s0] =	ssyncadd.tile.s32 @!p0 $0x1;
	_ =	shalt  }
.Lfunc_end2:
_tile_overlayer_lowered:
.L_overlay_start_2:
0x56: {  	(tag) =	ssettag $0x2  }
0x57: {  	s0 =	rddreg [dreg:$0x0];
	s2 =	stileid.u32  }
0x58: {  	s1 =	rddreg [dreg:$0x1];
	p0 =	sne.s32 s2, $0x0  }
0x59: {  	s3 =	rddreg [dreg:$0x2];
	[bflag:$0x3] =	sbarrier.arrive $0xFFFF;
	s2 =	simm.s32 @!p0 $0x1C03  }
0x5a: {  	[timem:s3], [sflag:s2] =	dma.local @!p0 [hbm:s0], s1  }
0x5b: {  	s0 =	simm.s32 @!p0 $0x3  }
0x5c: {  	_ =	swait.ge @!p0 [sflag:s0], s1  }
0x5d: {  	s1 =	ssub.s32 @!p0 $0x0, s1;
	[sflag:s0] =	ssyncset.done @!p0 $0x0  }
0x5e: {  	[sflag:s0] =	ssyncadd.s32 @!p0 s1  }
0x5f: {  	[bflag:$0x3] =	sbarrier.arrive $0xFFFF  }
0x60: {  	_ =	shalt  }

// kernel: kernel.8.cloned.1.call-start
scs
__scs_entry_jumppad:
0x0: {  	(pc) =	sbr.rel $0x88, $3  }
0x1: {  	(tag) =	ssettag $0x0;
	lr =	simm.s32 $0x1  }
0x2: {  	[smem:$0x3F98] =	sst lr;
	_ =	strace $0xD0000000  }
0x3: {  	_ = 	snop  }
0x4: {  	_ = 	snop  }
0x5: {  	_ = 	snop  }
0x6: {  	_ = 	snop  }
0x7: {  	_ = 	snop  }
__scs_overlays_trampoline_lowered:
0x8: {  	[smem:$0x3FA7] =	sst s0  }
0x9: {  	[smem:$0x3FA8] =	sst s1  }
0xa: {  	[smem:$0x3FA9] =	sst s2  }
0xb: {  	[smem:$0x3FAA] =	sst s3  }
0xc: {  	[smem:$0x3FAB] =	sst s4  }
0xd: {  	[smem:$0x3FAC] =	sst s5  }
0xe: {  	[smem:$0x3FAD] =	sst s6  }
0xf: {  	[smem:$0x3FAE] =	sst s7  }
0x10: {  	[smem:$0x3FAF] =	sst s8  }
0x11: {  	[smem:$0x3FB0] =	sst s9;
	s0 =	simm.s32 @!p0 $0x0  }
0x12: {  	s1 =	sld [smem:$0x3F96];
	s0 =	simm.s32 @p0 $0x1  }
0x13: {  	[smem:$0x3FB1] =	sst s0;
	s0 =	simm.s32 @!p1 $0x0  }
0x14: {  	s2 =	sld [smem:$0x3F95];
	s0 =	simm.s32 @p1 $0x1  }
0x15: {  	[smem:$0x3FB2] =	sst s0;
	s0 =	simm.s32 @!p2 $0x0  }
0x16: {  	s3 =	sld [smem:$0x3FDB];
	s0 =	simm.s32 @p2 $0x1  }
0x17: {  	s4 =	simm.s32 $0x1BF5;
	[smem:$0x3FB4] =	sst s0  }
0x18: {  	s0 =	sld [smem:$0x3F97];
	_ =	swait.ge [sflag:s4], $0x0  }
0x19: {  	s7 =	sld [smem:$0x3F98]  }
0x1a: {  	s8 =	sadd.s32 $0xFFFFE003, lr  }
0x1b: {  	s9 =	sadd.s32 $0xFFFFFEF7, lr;
	s5 =	simm.s32 $0xFFFFFFFF;
	p2 =	slt.u32 s8, $0xFFFFF086  }
0x1c: {  	p1 =	slt.u32 s9, $0xF7A;
	s5 =	simm.s32 @!p2 $0x0  }
0x1d: {  	s5 =	simm.s32 @p1 $0x1;
	p0 =	seq.s32 s7, s2  }
0x1e: {  	s7 =	smul.u32 @!p0 $0xF7A, s2;
	p2 =	seq.s32 @!p0 s5, $0x0  }
0x1f: {  	s9 =	smul.u32 $0xF7A, s1;
	s8 =	simm.s32 @!p0 $0x1BF5;
	p2 =	por !p2, p0  }
0x20: {  	[sflag:s8] =	ssyncset.s32 @!p0 $0xFFFFF086;
	s6 =	sadd.s32 @!p0 s3, s7;
	s7 =	simm.s32 @!p0 $0x108  }
0x21: {  	s3 =	sadd.s32 s3, s9;
	s6 =	sadd.s32 @!p0 $0x88, s6;
	s7 =	simm.s32 @p2 $0x1082  }
0x22: {  	[simem:s7], [sflag:s8] =	dma.local @!p0 [hbm:s6], $0xF7A  }
0x23: {  	s9 =	sor.u32 $0xD0000000, s2;
	s6 =	simm.s32 $0x108;
	_ =	swait.ge @!p0 [sflag:s8], $0x0  }
0x24: {  	s3 =	sadd.s32 $0x88, s3;
	s6 =	simm.s32 @!p1 $0x1082;
	[sflag:s4] =	ssyncset.s32 $0xFFFFF086  }
0x25: {  	[simem:s6], [sflag:s4] =	dma.local [hbm:s3], $0xF7A  }
0x26: {  	[smem:$0x3F98] =	sst s1;
	(tag) =	ssettag s2;
	_ =	strace s9  }
0x27: {  	s1 =	sld [smem:$0x3FA8]  }
0x28: {  	s2 =	sld [smem:$0x3FA9]  }
0x29: {  	s4 =	sld [smem:$0x3FAB]  }
0x2a: {  	p0 =	seq.s32 s5, $0x0;
	s5 =	sld [smem:$0x3FAC]  }
0x2b: {  	s6 =	sld [smem:$0x3FAD]  }
0x2c: {  	s7 =	sld [smem:$0x3FAE]  }
0x2d: {  	s3 =	simm.s32 $0x108;
	s8 =	sld [smem:$0x3FAF]  }
0x2e: {  	s3 =	simm.s32 @!p0 $0x1082;
	s9 =	sld [smem:$0x3FB0]  }
0x2f: {  	lr =	sadd.s32 s0, s3;
	s0 =	sld [smem:$0x3FA7]  }
0x30: {  	s3 =	sld [smem:$0x3FAA]  }
0x31: {  	[smem:$0x3FB3] =	sst s10  }
0x32: {  	s10 =	sld [smem:$0x3FB1];
	_ =	sdelay $0x3  }
0x33: {  	p0 =	seq.s32 s10, $0x1;
	s10 =	sld [smem:$0x3FB3];
	_ =	sdelay $0x3  }
0x34: {  	[smem:$0x3FB3] =	sst s10  }
0x35: {  	s10 =	sld [smem:$0x3FB2];
	_ =	sdelay $0x3  }
0x36: {  	p1 =	seq.s32 s10, $0x1;
	s10 =	sld [smem:$0x3FB3];
	_ =	sdelay $0x3  }
0x37: {  	[smem:$0x3FB3] =	sst s10  }
0x38: {  	s10 =	sld [smem:$0x3FB4]  }
0x39: {  	_ = 	snop;
	(pc) =	sbr.ind lr, $3  }
0x3a: {  	_ = 	snop  }
0x3b: {  	_ = 	snop  }
0x3c: {  	p2 =	seq.s32 s10, $0x1;
	s10 =	sld [smem:$0x3FB3]  }
0x3d: {  	_ =	shalt  }
0x3e: {  	_ =	shalt  }
0x3f: {  	_ =	shalt  }
0x40: {  	_ =	shalt  }
0x41: {  	_ =	shalt  }
0x42: {  	_ =	shalt  }
0x43: {  	_ =	shalt  }
0x44: {  	_ =	shalt  }
0x45: {  	_ =	shalt  }
0x46: {  	_ =	shalt  }
0x47: {  	_ =	shalt  }
0x48: {  	_ =	shalt  }
0x49: {  	_ =	shalt  }
0x4a: {  	_ =	shalt  }
0x4b: {  	_ =	shalt  }
0x4c: {  	_ =	shalt  }
0x4d: {  	_ =	shalt  }
0x4e: {  	_ =	shalt  }
0x4f: {  	_ =	shalt  }
0x50: {  	_ =	shalt  }
0x51: {  	_ =	shalt  }
0x52: {  	_ =	shalt  }
0x53: {  	_ =	shalt  }
0x54: {  	_ =	shalt  }
0x55: {  	_ =	shalt  }
0x56: {  	_ =	shalt  }
0x57: {  	_ =	shalt  }
0x58: {  	_ =	shalt  }
0x59: {  	_ =	shalt  }
0x5a: {  	_ =	shalt  }
0x5b: {  	_ =	shalt  }
0x5c: {  	_ =	shalt  }
0x5d: {  	_ =	shalt  }
0x5e: {  	_ =	shalt  }
0x5f: {  	_ =	shalt  }
0x60: {  	_ =	shalt  }
0x61: {  	_ =	shalt  }
0x62: {  	_ =	shalt  }
0x63: {  	_ =	shalt  }
0x64: {  	_ =	shalt  }
0x65: {  	_ =	shalt  }
0x66: {  	_ =	shalt  }
0x67: {  	_ =	shalt  }
0x68: {  	_ =	shalt  }
0x69: {  	_ =	shalt  }
0x6a: {  	_ =	shalt  }
0x6b: {  	_ =	shalt  }
0x6c: {  	_ =	shalt  }
0x6d: {  	_ =	shalt  }
0x6e: {  	_ =	shalt  }
0x6f: {  	_ =	shalt  }
0x70: {  	_ =	shalt  }
0x71: {  	_ =	shalt  }
0x72: {  	_ =	shalt  }
0x73: {  	_ =	shalt  }
0x74: {  	_ =	shalt  }
0x75: {  	_ =	shalt  }
0x76: {  	_ =	shalt  }
0x77: {  	_ =	shalt  }
0x78: {  	_ =	shalt  }
0x79: {  	_ =	shalt  }
0x7a: {  	_ =	shalt  }
0x7b: {  	_ =	shalt  }
0x7c: {  	_ =	shalt  }
0x7d: {  	_ =	shalt  }
0x7e: {  	_ =	shalt  }
0x7f: {  	_ =	shalt  }
0x80: {  	_ =	shalt  }
0x81: {  	_ =	shalt  }
0x82: {  	_ =	shalt  }
0x83: {  	_ =	shalt  }
0x84: {  	_ =	shalt  }
0x85: {  	_ =	shalt  }
0x86: {  	_ =	shalt  }
0x87: {  	_ =	shalt  }
.Lfunc_end0:
.L_simem_size_0:
called_computation_lowered:
.L_overlay_start_0:
0x88: {  	s2 =	sld [smem:$0x3FD9]  }
0x89: {  	s3 =	sld [smem:$0x3FFE];
	_ =	sdelay $0x1  }
0x8a: {  	s1 =	srdreg.scid  }
0x8b: {  	s0 =	sand.u32 $0x1, s1  }
0x8c: {  	s16 =	sshll.u32 s0, $0xA;
	s2 =	sadd.s32 s3, s2  }
0x8d: {  	s2 =	sadd.s32 s2, s16  }
0x8e: {  	[smem:$0x3FBF] =	sst s2  }
0x8f: {  	_ = 	snop  }
0x90: {  	(tm) =	ssettm $0x1  }
0x91: {  	s17 =	sld [smem:$0x3FFB];
	_ =	sdelay $0x3  }
0x92: {  	_ =	strace s17  }
0x93: {  	s2 =	sld [smem:$0x3FFC];
	_ =	sdelay $0x3  }
0x94: {  	_ =	strace s2  }
0x95: {  	s2 =	sld [smem:$0x3FFD];
	_ =	sdelay $0x3  }
0x96: {  	_ =	strace s2  }
0x97: {  	_ =	strace $0x8FFFFFFF  }
0x98: {  	s18 =	sld [smem:$0x3FDB];
	_ =	sdelay $0x1  }
0x99: {  	s19 =	simm.s32 $_scs_section_size  }
0x9a: {  	s4 =	simm.s32 $_size__tile_overlayer_lowered;
	s5 =	simm.s32 $_tile_overlayer_lowered  }
0x9b: {  	s22 =	simm.s32 $0x1BFF;
	s21 =	sshll.u32 s5, $0x1;
	s2 =	sadd.s32 s19, s18  }
0x9c: {  	s6 =	simm.s32 $0x0;
	s20 =	sshll.u32 s4, $0x1;
	s4 =	sadd.s32 s21, s2  }
0x9d: {  	[timem:s6], [sflag:s22] =	dma.local [hbm:s4], s20  }
0x9e: {  	_ =	swait.ge [sflag:s22], s20  }
0x9f: {  	s3 =	ssub.s32 $0x0, s20;
	[sflag:s22] =	ssyncset.done $0x0  }
0xa0: {  	[sflag:s22] =	ssyncadd.s32 s3;
	_ =	sdelay $0x1  }
0xa1: {  	s23 =	simm.s32 $0x1B8B  }
0xa2: {  	_ =	swait.ge [sflag:s23], $0x1  }
0xa3: {  	[sflag:s23] =	ssyncset.done $0x0  }
0xa4: {  	s25 =	simm.s32 $0x1B8E;
	s24 =	sld [smem:$0x3FFE];
	[sflag:s23] =	ssyncadd.s32 $0xFFFFFFFF  }
0xa5: {  	s26 =	simm.s32 $execute0_lowered;
	[smem:$0x3FD2] =	sst s25  }
0xa6: {  	s4 =	sshll.u32 s26, $0x1;
	_ =	strace $0x80000046;
	[dreg:$0x1] =	wrdreg $0xFFFFFFFF  }
0xa7: {  	s28 =	simm.s32 $_size_execute0_lowered;
	s2 =	sadd.s32 s2, s4;
	[dreg:$0x0] =	wrdreg $0x0  }
0xa8: {  	s4 =	sshll.u32 s28, $0x1;
	[dreg:$0x2] =	wrdreg s2  }
0xa9: {  	[dreg:$0x3] =	wrdreg s4  }
0xaa: {  	[dreg:$0x4] =	wrdreg $0xC0  }
0xab: {  	_ =	task [dreg:s6], $0x5FFFF  }
0xac: {  	[dreg:$0x1] =	wrdreg $0xFFFFFFFF  }
0xad: {  	[dreg:$0x0] =	wrdreg $0x60  }
0xae: {  	[dreg:$0x2] =	wrdreg s24  }
0xaf: {  	[dreg:$0x3] =	wrdreg $0x52000  }
0xb0: {  	[dreg:$0x4] =	wrdreg $0x9  }
0xb1: {  	_ =	task.clear_ibuf [dreg:s6], $0x5FFFF;
	_ =	strace $0x90000046  }
0xb2: {  	s29 =	simm.s32 $0x9;
	_ =	strace $0x80000048  }
0xb3: {  	_ =	swait.ge [sflag:s29], $0x1  }
0xb4: {  	[sflag:s29] =	ssyncadd.s32 $0xFFFFFFFF  }
0xb5: {  	_ =	strace $0x90000048  }
0xb6: {  	_ =	sfence  }
0xb7: {  	s30 =	sld [smem:$0x0];
	_ =	sdelay $0x2  }
0xb8: {  	s31 =	sshll.u32 s1, $0xD;
	s1 =	sshrl.u32 s1, $0x2  }
0xb9: {  	s3 =	sand.u32 $0x4000, s31;
	s1 =	sadd.s32 s1, s30  }
0xba: {  	s0 =	sor.u32 s3, s0;
	s1 =	sshll.u32 s1, $0x11  }
0xbb: {  	s0 =	sor.u32 s1, s0  }
0xbc: {  	s0 =	sadd.s32 $0x8F2B, s0  }
0xbd: {  	[sflag:s0] =	ssyncadd.remote.s32 $0x1  }
0xbe: {  	_ =	sfence.sel $0xFFFF  }
0xbf: {  	[dreg:$0x0] =	wrdreg $0xFFFFFFFF;
	(pc) =	sbr.abs _section_cstart, $3  }
0xc0: {  	[dreg:$0x1] =	wrdreg $0xFFFFFFFF  }
0xc1: {  	_ =	task.clear_ibuf [dreg:s6], $0x2FFFF;
	_ =	strace $0x9FFFFFFF  }
0xc2: {  	(tm) =	ssettm $0x7FFFFFFF  }
0xc3: {  	_ =	shalt  }
tec
execute0_lowered:
.L_overlay_start_1:
0x0: {  	(tag) =	ssettag $0x1  }
0x1: {  	s4 =	rddreg [dreg:$0x0]  }
0x2: {  	s2 =	rddreg [dreg:$0x1];
	s3 =	srdreg.scid  }
0x3: {  	s1 =	stileid.u32;
	s0 =	rddreg [dreg:$0x2];
	s10 =	simm.s32 $0x2780  }
0x4: {  	s11 =	simm.s32 $0x280;
	s12 =	simm.s32 $0x4F80;
	s5 =	sand.u32 $0x1, s3  }
0x5: {  	s6 =	smul.u32 $0x280, s1;
	s3 =	simm.s32 $0x0;
	s7 =	sshll.u32 s1, $0x1  }
0x6: {  	s13 =	sshll.u32 s1, $0x6;
	s8 =	smul.u32 $0x2800, s5;
	[smem:$0x7FF] =	sst s3  }
0x7: {  	s7 =	sor.u32 s5, s7;
	s5 =	ssub.s32 $0x2, s5;
	s13 =	sor.u32 $0x1C01, s13  }
0x8: {  	s7 =	smul.u32 $0x4F0, s7;
	s9 =	sshrl.u32 s5, $0x1;
	s8 =	sadd.s32 s6, s8  }
0x9: {  	_ =	strace $0x80000047;
	s9 =	ssub.s32 s5, s9;
	s8 =	sshrl.u32 s8, $0x3  }
0xa: {  	s5 =	sadd.s32 $0x2780, s6;
	s7 =	sadd.s32 s7, s4;
	s8 =	sadd.s32 s8, s4  }
0xb: {  	s4 =	sadd.s32 s6, s2;
	s6 =	sadd.s32 $0x1400, s7;
	s7 =	sadd.s32 $0xB200, s8  }
0xc: {  	v0 =	vimm.f32 $0.0e+00;
	v1 =	vlaneseq.u32;
	v2 =	vimm.f32 $1.000000000e+00;
	s8 =	smax.u32 s9, $0x1;
	s9 =	simm.s32 $0x1;
	s14 =	sshrl.u32 s4, $0x3  }
.LBB2_1:
0xd: {  	s15 =	simm.s32 $0x0  }
.LBB2_2:
0xe: {  	p0 =	sne.s32 s15, $0x9FC0  }
.Ltmp0:
0xf: {  	_ = 	snop;
	(pc) =	sbr.rel @p0 .LBB2_2-.Ltmp0, $3  }
0x10: {  	_ =	sdelay $0x1  }
0x11: {  	s16 =	sshra.s32 s15, $0x2  }
0x12: {  	s15 =	sadd.s32 $0x40, s15;
	[tilespmem:s16+$0x2780] =	vst v0  }
0x13: {  	s16 =	simm.s32 $0x0  }
0x14: {  	s15 =	simm.s32 $0x4F80;
	v3 =	vor.u32 s16, v1  }
0x15: {  	s16 =	simm.s32 $0x10;
	[tilespmem:s15+$0x0] =	vst v3  }
.LBB2_4:
0x16: {  	p0 =	sne.s32 s16, $0x270  }
.Ltmp1:
0x17: {  	_ = 	snop;
	(pc) =	sbr.rel @p0 .LBB2_4-.Ltmp1, $3  }
0x18: {  	_ =	sdelay $0x1  }
0x19: {  	v3 =	vor.u32 s16, v1;
	s16 =	sadd.s32 $0x10, s16;
	s15 =	sadd.s32 $0x10, s15  }
0x1a: {  	[tilespmem:s15+$0x0] =	vst v3  }
0x1b: {  	[spmem:s4] =	stream.linear.scatter [tilespmem:s5], [sflag:$0x1], $0x280, $0x38;
	[tilespmem:$0x5480] =	vst v63  }
0x1c: {  	_ =	swait.ge [sflag:s9], $0x280  }
0x1d: {  	[sflag:s9] =	ssyncset.done $0x0  }
0x1e: {  	s15 =	simm.s32 $0x0;
	[sflag:s9] =	ssyncadd.s32 $0xFFFFFD80  }
0x1f: {  	[tilespmem:s15], [sflag:$0x1] =	stream.linear.gather [hbm4b:s6+s15], $0x2780, $0x38;
	[tilespmem:$0x5480] =	vst v63  }
0x20: {  	_ =	swait.ge [sflag:s9], $0x2780  }
0x21: {  	[sflag:s9] =	ssyncset.done $0x0  }
0x22: {  	[sflag:s9] =	ssyncadd.s32 $0xFFFFD880  }
0x23: {  	[bflag:$0x0] =	sbarrier.arrive $0xFFFF  }
.LBB2_6:
0x24: {  	s16 =	sshra.s32 s15, $0x2  }
0x25: {  	v3 =	vld [tilespmem:s16+$0x0];
	_ =	sdelay $0x7  }
0x26: {  	[tilespmem:v3+s10+$0x0] =	vst.idx.add.f32.msk $0xffff, v2  }
0x27: {  	v3 =	vld [tilespmem:s16+$0x10];
	_ =	sdelay $0x7  }
0x28: {  	[tilespmem:v3+s10+$0x0] =	vst.idx.add.f32.msk $0xffff, v2  }
0x29: {  	v3 =	vld [tilespmem:s16+$0x20];
	_ =	sdelay $0x7  }
0x2a: {  	[tilespmem:v3+s10+$0x0] =	vst.idx.add.f32.msk $0xffff, v2  }
0x2b: {  	v3 =	vld [tilespmem:s16+$0x30];
	_ =	sdelay $0x7  }
0x2c: {  	[tilespmem:v3+s10+$0x0] =	vst.idx.add.f32.msk $0xffff, v2  }
0x2d: {  	v3 =	vld [tilespmem:s16+$0x40];
	_ =	sdelay $0x7  }
0x2e: {  	[tilespmem:v3+s10+$0x0] =	vst.idx.add.f32.msk $0xffff, v2  }
0x2f: {  	v3 =	vld [tilespmem:s16+$0x50];
	_ =	sdelay $0x7  }
0x30: {  	[tilespmem:v3+s10+$0x0] =	vst.idx.add.f32.msk $0xffff, v2  }
0x31: {  	v3 =	vld [tilespmem:s16+$0x60];
	_ =	sdelay $0x7  }
0x32: {  	[tilespmem:v3+s10+$0x0] =	vst.idx.add.f32.msk $0xffff, v2  }
0x33: {  	v3 =	vld [tilespmem:s16+$0x70];
	_ =	sdelay $0x2  }
0x34: {  	p0 =	sne.s32 s15, $0x9C00  }
.Ltmp2:
0x35: {  	_ = 	snop;
	(pc) =	sbr.rel @p0 .LBB2_6-.Ltmp2, $2  }
0x36: {  	_ =	sdelay $0x2  }
0x37: {  	s15 =	sadd.s32 $0x200, s15;
	[tilespmem:v3+s10+$0x0] =	vst.idx.add.f32.msk $0xffff, v2  }
0x38: {  	[spmem:s2] =	stream.indirect.scatter.add.f32 [tilespmem:s10], [sflag:$0x1], $0x10, s12, s11, $0xb8;
	[tilespmem:$0x5480] =	vst v63  }
0x39: {  	_ =	swait.ge [sflag:s9], $0x2800  }
0x3a: {  	s3 =	sadd.s32 $0x1, s3;
	[sflag:s9] =	ssyncset.done $0x0  }
0x3b: {  	p0 =	sne.s32 s3, s8;
	[sflag:s9] =	ssyncadd.s32 $0xFFFFD800  }
.Ltmp3:
0x3c: {  	[bflag:$0x0] =	sbarrier.arrive $0xFFFF;
	(pc) =	sbr.rel @p0 .LBB2_1-.Ltmp3, $4  }
0x3d: {  	[hbm:s7], [sflag:s13] =	dma.local [spmem:s14], $0x50  }
0x3e: {  	_ =	swait.ge [sflag:s9], $0x50  }
0x3f: {  	[sflag:s9] =	ssyncset.done $0x0  }
0x40: {  	[sflag:s9] =	ssyncadd.s32 $0xFFFFFFB0  }
0x41: {  	_ =	sfence.sel $0x180000  }
0x42: {  	[bflag:$0x0] =	sbarrier.arrive $0xFFFF  }
0x43: {  	p0 =	sne.s32 s1, $0x0;
	_ =	strace $0x90000047  }
0x44: {  	s0 =	sadd.s32 @!p0 $0x100000, s0;
	[bflag:$0x2] =	sbarrier.arrive $0xFFFF  }
0x45: {  	[sflag:s0] =	ssyncadd.tile.s32 @!p0 $0x1;
	_ =	shalt  }
.Lfunc_end2:
_tile_overlayer_lowered:
.L_overlay_start_2:
0x46: {  	(tag) =	ssettag $0x2  }
0x47: {  	s0 =	rddreg [dreg:$0x0];
	s2 =	stileid.u32  }
0x48: {  	s1 =	rddreg [dreg:$0x1];
	p0 =	sne.s32 s2, $0x0  }
0x49: {  	s3 =	rddreg [dreg:$0x2];
	[bflag:$0x3] =	sbarrier.arrive $0xFFFF;
	s2 =	simm.s32 @!p0 $0x1C01  }
0x4a: {  	[timem:s3], [sflag:s2] =	dma.local @!p0 [hbm:s0], s1  }
0x4b: {  	s0 =	simm.s32 @!p0 $0x1  }
0x4c: {  	_ =	swait.ge @!p0 [sflag:s0], s1  }
0x4d: {  	s1 =	ssub.s32 @!p0 $0x0, s1;
	[sflag:s0] =	ssyncset.done @!p0 $0x0  }
0x4e: {  	[sflag:s0] =	ssyncadd.s32 @!p0 s1  }
0x4f: {  	[bflag:$0x3] =	sbarrier.arrive $0xFFFF  }
0x50: {  	_ =	shalt  }

</sc_bundles>
